<compile_context>
chip_gen: v7x
topology: tpu7x:2x2x1
jax: 0.10.2.dev20260603
libtpu: 0.0.44.dev20260713+nightly
codegen_flags: <defaults>
</compile_context>

<pallas_src>
import jax
import jax.numpy as jnp
from jax.experimental import pallas as pl
from jax.experimental.pallas import tpu as pltpu
from jax.experimental.pallas import tpu_sc as plsc

B, L = 4096, 50
N = B * L
WORD_VOCAB = 1000000
POS_VOCAB = 1000
WORD_DIM = 64
POS_DIM = 32

W = 128
SC_GRID = N // W
TBLK = 4000
OB = 16


def _widen_word(word_table):
    def body(t_ref, o_ref):
        x = t_ref[...]
        o_ref[:, :WORD_DIM] = x
        o_ref[:, WORD_DIM:] = x

    return pl.pallas_call(
        body,
        grid=(WORD_VOCAB // TBLK,),
        in_specs=[pl.BlockSpec((TBLK, WORD_DIM), lambda i: (i, 0))],
        out_specs=pl.BlockSpec((TBLK, 128), lambda i: (i, 0)),
        out_shape=jax.ShapeDtypeStruct((WORD_VOCAB, 128), jnp.float32),
        compiler_params=pltpu.CompilerParams(
            dimension_semantics=("parallel",)),
    )(word_table)


def _widen_small(pos_table, rel_table):
    def body(p_ref, r_ref, po_ref, ro_ref):
        p = p_ref[...]
        r = r_ref[...]
        for g in range(4):
            po_ref[:, g * POS_DIM:(g + 1) * POS_DIM] = p
            ro_ref[:, g * POS_DIM:(g + 1) * POS_DIM] = r

    return pl.pallas_call(
        body,
        out_shape=(
            jax.ShapeDtypeStruct((POS_VOCAB, 128), jnp.float32),
            jax.ShapeDtypeStruct((POS_VOCAB, 128), jnp.float32),
        ),
    )(pos_table, rel_table)


def _sc_gather_word(wt_wide, widx):
    mesh = plsc.VectorSubcoreMesh(core_axis_name="c", subcore_axis_name="s")

    @pl.kernel(
        out_type=jax.ShapeDtypeStruct((N, 128), jnp.float32),
        mesh=mesh,
        compiler_params=pltpu.CompilerParams(use_tc_tiling_on_sc=False),
    )
    def kern(wt_hbm, wi_hbm, wo_hbm):
        def body(wi_v, wo_v):
            pltpu.sync_copy(wt_hbm.at[wi_v.at[0]], wo_v)

        pltpu.emit_pipeline(
            body,
            grid=(SC_GRID,),
            in_specs=[pl.BlockSpec((1, W), lambda i: (i, 0))],
            out_specs=[pl.BlockSpec((W, 128), lambda i: (i, 0))],
            core_axis_name=("c", "s"),
            dimension_semantics=(pltpu.PARALLEL,),
        )(wi_hbm, wo_hbm)

    return kern(wt_wide, widx)


def _sc_gather_posrel(pt_wide, rt_wide, pidx, ridx):
    mesh = plsc.VectorSubcoreMesh(core_axis_name="c", subcore_axis_name="s")

    @pl.kernel(
        out_type=(
            jax.ShapeDtypeStruct((N, POS_DIM), jnp.float32),
            jax.ShapeDtypeStruct((N, POS_DIM), jnp.float32),
        ),
        mesh=mesh,
        compiler_params=pltpu.CompilerParams(use_tc_tiling_on_sc=False),
    )
    def kern(pt_hbm, rt_hbm, pi_hbm, ri_hbm, po_hbm, ro_hbm):
        def body(pi_v, ri_v, po_v, ro_v):
            pltpu.sync_copy(pt_hbm.at[pi_v.at[0]], po_v)
            pltpu.sync_copy(rt_hbm.at[ri_v.at[0]], ro_v)

        pltpu.emit_pipeline(
            body,
            grid=(SC_GRID,),
            in_specs=[
                pl.BlockSpec((1, W), lambda i: (i, 0)),
                pl.BlockSpec((1, W), lambda i: (i, 0)),
            ],
            out_specs=[
                pl.BlockSpec((W, POS_DIM), lambda i: (i, 0)),
                pl.BlockSpec((W, POS_DIM), lambda i: (i, 0)),
            ],
            core_axis_name=("c", "s"),
            dimension_semantics=(pltpu.PARALLEL,),
        )(pi_hbm, ri_hbm, po_hbm, ro_hbm)

    return kern(pt_wide, rt_wide, pidx, ridx)


def _unpack_outputs(word_wide, pos_wide, rel_wide):
    def body(w_ref, p_ref, r_ref, wo_ref, po_ref, ro_ref):
        wo_ref[...] = w_ref[:, :WORD_DIM].reshape(OB, L, WORD_DIM)
        po_ref[...] = p_ref[:, :POS_DIM].reshape(OB, L, POS_DIM)
        ro_ref[...] = r_ref[:, :POS_DIM].reshape(OB, L, POS_DIM)

    return pl.pallas_call(
        body,
        grid=(B // OB,),
        in_specs=[
            pl.BlockSpec((OB * L, 128), lambda i: (i, 0)),
            pl.BlockSpec((OB * L, 128), lambda i: (i, 0)),
            pl.BlockSpec((OB * L, 128), lambda i: (i, 0)),
        ],
        out_specs=[
            pl.BlockSpec((OB, L, WORD_DIM), lambda i: (i, 0, 0)),
            pl.BlockSpec((OB, L, POS_DIM), lambda i: (i, 0, 0)),
            pl.BlockSpec((OB, L, POS_DIM), lambda i: (i, 0, 0)),
        ],
        out_shape=(
            jax.ShapeDtypeStruct((B, L, WORD_DIM), jnp.float32),
            jax.ShapeDtypeStruct((B, L, POS_DIM), jnp.float32),
            jax.ShapeDtypeStruct((B, L, POS_DIM), jnp.float32),
        ),
        compiler_params=pltpu.CompilerParams(
            dimension_semantics=("parallel",)),
    )(word_wide, pos_wide, rel_wide)


@jax.jit
def kernel(word_idxs, pos_idxs, rel_idxs, word_table, pos_table, rel_table):
    pidx = pos_idxs.reshape(SC_GRID, W)
    ridx = rel_idxs.reshape(SC_GRID, W)
    pos_out, rel_out = _sc_gather_posrel(pos_table, rel_table, pidx, ridx)

    wt_wide = jnp.pad(word_table, ((0, 0), (0, 128 - WORD_DIM)))
    widx = word_idxs.reshape(SC_GRID, W)
    word_wide = _sc_gather_word(wt_wide, widx)

    return (word_wide[:, :WORD_DIM].reshape(B, L, WORD_DIM),
            pos_out.reshape(B, L, POS_DIM),
            rel_out.reshape(B, L, POS_DIM))

# --- scband reference (transcript-rebuilt; emitter-appended) ---
"""Pipeline reference for scband-embedding-layer-44186623541728 (READ-ONLY COPY).

The authoritative reference and input builder live on the scoring server;
editing this copy changes nothing except your own understanding.
"""

import jax, jax.numpy as jnp
import numpy as np

WORD_VOCAB, WORD_DIM = 1000000, 64
POS_VOCAB, POS_DIM = 1000, 32
REL_VOCAB, REL_DIM = 1000, 32
B, L = 4096, 50

def setup_inputs(seed: int = 0) -> dict:
    key = jax.random.key(seed)
    k1, k2, k3, k4, k5, k6 = jax.random.split(key, 6)
    word_idxs = jax.random.randint(k1, (B, L), 0, WORD_VOCAB, dtype=jnp.int64 if jax.config.jax_enable_x64 else jnp.int32)
    pos_idxs = jax.random.randint(k2, (B, L), 0, POS_VOCAB, dtype=jnp.int64 if jax.config.jax_enable_x64 else jnp.int32)
    rel_idxs = jax.random.randint(k3, (B, L), 0, REL_VOCAB, dtype=jnp.int64 if jax.config.jax_enable_x64 else jnp.int32)
    # learned parameters (embedding tables), xavier-normal-like init
    word_table = jax.random.normal(k4, (WORD_VOCAB, WORD_DIM), dtype=jnp.float32) * float(np.sqrt(2.0 / (WORD_VOCAB + WORD_DIM)))
    pos_table = jax.random.normal(k5, (POS_VOCAB, POS_DIM), dtype=jnp.float32) * float(np.sqrt(2.0 / (POS_VOCAB + POS_DIM)))
    rel_table = jax.random.normal(k6, (REL_VOCAB, REL_DIM), dtype=jnp.float32) * float(np.sqrt(2.0 / (REL_VOCAB + REL_DIM)))
    return {
        "word_idxs": word_idxs,
        "pos_idxs": pos_idxs,
        "rel_idxs": rel_idxs,
        "word_table": word_table,
        "pos_table": pos_table,
        "rel_table": rel_table,
    }

def reference(word_idxs, pos_idxs, rel_idxs, word_table, pos_table, rel_table):
    # Faithful translation of EmbeddingLayer.forward: three embedding lookups
    word_embeddings = jnp.take(word_table, word_idxs, axis=0)
    pos_embeddings = jnp.take(pos_table, pos_idxs, axis=0)
    rel_embeddings = jnp.take(rel_table, rel_idxs, axis=0)
    return (word_embeddings, pos_embeddings, rel_embeddings)

if __name__ == "__main__":
    import jax
    _d = setup_inputs()
    print(jax.jit(kernel)(*tuple(_d.values())))

</pallas_src>

<mosaic_0001>
#map = affine_map<(d0, d1) -> (0, 0)>
module attributes {stable_mosaic.version = 14 : i64} {
  func.func @kern(%arg0: i32, %arg1: i32, %arg2: memref<1000000x128xf32, #tpu.memory_space<hbm>>, %arg3: memref<1600x128xi32, #tpu.memory_space<hbm>>, %arg4: memref<204800x128xf32, #tpu.memory_space<hbm>>) attributes {dimension_semantics = [#tpu.dimension_semantics<core_parallel>, #tpu.dimension_semantics<subcore_parallel>], iteration_bounds = array<i64: 2, 16>, scalar_prefetch = 0 : i64, scratch_operands = 0 : i64, tpu.core_type = #tpu.core_type<sc_vector_subcore>, window_params = [{transform_indices = #map}, {transform_indices = #map}, {transform_indices = #map}]} {
    %mul3A = arith.constant 1 : i32
    %mul3A_0 = arith.muli %arg1, %mul3A : i32
    %add3A = arith.constant 0 : i32
    %add3A_1 = arith.addi %add3A, %mul3A_0 : i32
    %mul3A_2 = arith.constant 16 : i32
    %mul3A_3 = arith.muli %arg0, %mul3A_2 : i32
    %add3A_4 = arith.addi %add3A_1, %mul3A_3 : i32
    %mul3A_5 = arith.constant 50 : i32
    %mul3A_6 = arith.muli %add3A_4, %mul3A_5 : i32
    "tpu.region"() ({
      %run_scoped3A = memref.alloca() : memref<2x1x128xi32, #tpu.memory_space<vmem>>
      %run_scoped3A_7 = tpu.sem_alloc : memref<2x!tpu.dma_semaphore, #tpu.memory_space<semaphore_mem>>
      %run_scoped3A_8 = memref.alloca() : memref<2x128x128xf32, #tpu.memory_space<vmem>>
      %run_scoped3A_9 = tpu.sem_alloc : memref<2x!tpu.dma_semaphore, #tpu.memory_space<semaphore_mem>>
      %add3A_10 = arith.constant 0 : i32
      %add3A_11 = arith.addi %add3A_10, %mul3A_6 : i32
      %select_n3A = arith.constant true
      %select_n3A_12 = arith.constant 0 : i32
      %select_n3A_13 = arith.constant -1 : i32
      %select_n3A_14 = arith.select %select_n3A, %select_n3A_13, %select_n3A_12 : i32
      %eq3A = arith.constant -1 : i32
      %eq3A_15 = arith.cmpi eq, %select_n3A_14, %eq3A : i32
      %select_n3A_16 = arith.constant 49 : i32
      %select_n3A_17 = arith.select %eq3A_15, %select_n3A_16, %select_n3A_14 : i32
      %add3A_18 = arith.addi %select_n3A_17, %mul3A_6 : i32
      %select_n3A_19 = arith.constant true
      %select_n3A_20 = arith.constant 0 : i32
      %select_n3A_21 = arith.constant 1 : i32
      %select_n3A_22 = arith.select %select_n3A_19, %select_n3A_21, %select_n3A_20 : i32
      %eq3A_23 = arith.constant 50 : i32
      %eq3A_24 = arith.cmpi eq, %select_n3A_22, %eq3A_23 : i32
      %select_n3A_25 = arith.constant 0 : i32
      %select_n3A_26 = arith.select %eq3A_24, %select_n3A_25, %select_n3A_22 : i32
      %add3A_27 = arith.addi %select_n3A_26, %mul3A_6 : i32
      %add3A_28 = arith.constant 1 : i32
      %add3A_29 = arith.addi %select_n3A_26, %add3A_28 : i32
      %select_n3A_30 = arith.constant true
      %select_n3A_31 = arith.select %select_n3A_30, %add3A_29, %select_n3A_26 : i32
      %eq3A_32 = arith.constant 50 : i32
      %eq3A_33 = arith.cmpi eq, %select_n3A_31, %eq3A_32 : i32
      %select_n3A_34 = arith.constant 0 : i32
      %select_n3A_35 = arith.select %eq3A_33, %select_n3A_34, %select_n3A_31 : i32
      %add3A_36 = arith.addi %select_n3A_35, %mul3A_6 : i32
      "tpu.trace_start"() <{level = 10 : i32, message = "ep_initialize_0"}> : () -> ()
      %rem3A = arith.constant 0 : i32
      %rem3A_37 = arith.constant 2 : i32
      %rem3A_38 = arith.remui %rem3A, %rem3A_37 : i32
      %mul3A_39 = arith.constant 1 : i32
      %mul3A_40 = arith.muli %mul3A_39, %add3A_11 : i32
      %dma_start3A = arith.constant 0 : i32
      %dma_start3A_41 = arith.constant 0 : i32
      %dma_start3A_42 = tpu.memref_slice %run_scoped3A[%rem3A_38, %dma_start3A, %dma_start3A_41] : memref<2x1x128xi32, #tpu.memory_space<vmem>> -> memref<1x1x128xi32, #tpu.memory_space<vmem>>
      %dma_start3A_43 = tpu.memref_squeeze %dma_start3A_42 : memref<1x1x128xi32, #tpu.memory_space<vmem>> -> memref<1x128xi32, #tpu.memory_space<vmem>>
      %dma_start3A_44 = arith.constant 0 : i32
      %dma_start3A_45 = tpu.memref_slice %arg3[%mul3A_40, %dma_start3A_44] : memref<1600x128xi32, #tpu.memory_space<hbm>> -> memref<1x128xi32, #tpu.memory_space<hbm>>
      %dma_start3A_46 = tpu.memref_slice %run_scoped3A_7[%rem3A_38] : memref<2x!tpu.dma_semaphore, #tpu.memory_space<semaphore_mem>> -> memref<1x!tpu.dma_semaphore, #tpu.memory_space<semaphore_mem>>
      %dma_start3A_47 = tpu.memref_squeeze %dma_start3A_46 : memref<1x!tpu.dma_semaphore, #tpu.memory_space<semaphore_mem>> -> memref<!tpu.dma_semaphore, #tpu.memory_space<semaphore_mem>>
      %dma_start3A_48 = arith.constant 0 : i32
      %dma_start3A_49 = arith.constant 0 : i32
      %dma_start3A_50 = tpu.memref_slice %run_scoped3A[%rem3A_38, %dma_start3A_48, %dma_start3A_49] : memref<2x1x128xi32, #tpu.memory_space<vmem>> -> memref<1x1x128xi32, #tpu.memory_space<vmem>>
      %dma_start3A_51 = tpu.memref_squeeze %dma_start3A_50 : memref<1x1x128xi32, #tpu.memory_space<vmem>> -> memref<1x128xi32, #tpu.memory_space<vmem>>
      %dma_start3A_52 = arith.constant 0 : i32
      %dma_start3A_53 = tpu.memref_slice %arg3[%mul3A_40, %dma_start3A_52] : memref<1600x128xi32, #tpu.memory_space<hbm>> -> memref<1x128xi32, #tpu.memory_space<hbm>>
      tpu.enqueue_dma source(%dma_start3A_53 : memref<1x128xi32, #tpu.memory_space<hbm>>) target(%dma_start3A_51 : memref<1x128xi32, #tpu.memory_space<vmem>>) target_semaphore(%dma_start3A_47 : memref<!tpu.dma_semaphore, #tpu.memory_space<semaphore_mem>>)
      %add3A_54 = arith.constant 0 : i32
      %add3A_55 = arith.constant 1 : i32
      %add3A_56 = arith.addi %add3A_54, %add3A_55 : i32
      %select_n3A_57 = arith.constant true
      %select_n3A_58 = arith.constant 0 : i32
      %select_n3A_59 = arith.select %select_n3A_57, %add3A_56, %select_n3A_58 : i32
      "tpu.trace_stop"() : () -> ()
      %scan3A = arith.constant 0 : i32
      %scan3A_60 = arith.constant 0 : i32
      %scan3A_61 = arith.constant 0 : i32
      %scan3A_62 = arith.constant 0 : i32
      %scan3A_63 = arith.constant 0 : i32
      %scan3A_64 = arith.constant 50 : i32
      %scan3A_65 = arith.addi %scan3A_63, %scan3A_64 : i32
      %scan3A_66 = arith.constant 1 : i32
      %scan3A_67:5 = scf.for %scan3A_121 = %scan3A_63 to %scan3A_65 step %scan3A_66 iter_args(%scan3A_122 = %select_n3A_59, %scan3A_123 = %scan3A, %scan3A_124 = %scan3A_60, %scan3A_125 = %scan3A_61, %scan3A_126 = %scan3A_62) -> (i32, i32, i32, i32, i32)  : i32 {
        %eq3A_127 = arith.constant 0 : i32
        %eq3A_128 = arith.cmpi eq, %scan3A_121, %eq3A_127 : i32
        %eq3A_129 = arith.constant 49 : i32
        %eq3A_130 = arith.cmpi eq, %scan3A_121, %eq3A_129 : i32
        %add3A_131 = arith.addi %scan3A_126, %mul3A_6 : i32
        %sub3A_132 = arith.constant 1 : i32
        %sub3A_133 = arith.subi %scan3A_126, %sub3A_132 : i32
        %select_n3A_134 = arith.constant true
        %select_n3A_135 = arith.select %select_n3A_134, %sub3A_133, %scan3A_126 : i32
        %eq3A_136 = arith.constant -1 : i32
        %eq3A_137 = arith.cmpi eq, %select_n3A_135, %eq3A_136 : i32
        %select_n3A_138 = arith.constant 49 : i32
        %select_n3A_139 = arith.select %eq3A_137, %select_n3A_138, %select_n3A_135 : i32
        %add3A_140 = arith.addi %select_n3A_139, %mul3A_6 : i32
        %add3A_141 = arith.constant 1 : i32
        %add3A_142 = arith.addi %scan3A_126, %add3A_141 : i32
        %select_n3A_143 = arith.constant true
        %select_n3A_144 = arith.select %select_n3A_143, %add3A_142, %scan3A_126 : i32
        %eq3A_145 = arith.constant 50 : i32
        %eq3A_146 = arith.cmpi eq, %select_n3A_144, %eq3A_145 : i32
        %select_n3A_147 = arith.constant 0 : i32
        %select_n3A_148 = arith.select %eq3A_146, %select_n3A_147, %select_n3A_144 : i32
        %add3A_149 = arith.addi %select_n3A_148, %mul3A_6 : i32
        %add3A_150 = arith.constant 1 : i32
        %add3A_151 = arith.addi %select_n3A_148, %add3A_150 : i32
        %select_n3A_152 = arith.constant true
        %select_n3A_153 = arith.select %select_n3A_152, %add3A_151, %select_n3A_148 : i32
        %eq3A_154 = arith.constant 50 : i32
        %eq3A_155 = arith.cmpi eq, %select_n3A_153, %eq3A_154 : i32
        %select_n3A_156 = arith.constant 0 : i32
        %select_n3A_157 = arith.select %eq3A_155, %select_n3A_156, %select_n3A_153 : i32
        %add3A_158 = arith.addi %select_n3A_157, %mul3A_6 : i32
        %ne3A = arith.cmpi ne, %add3A_131, %add3A_149 : i32
        %or3A = arith.constant false
        %or3A_159 = arith.ori %or3A, %ne3A : i1
        %or3A_160 = arith.constant false
        %or3A_161 = arith.ori %or3A_159, %or3A_160 : i1
        %ge3A = arith.constant 49 : i32
        %ge3A_162 = arith.cmpi sge, %scan3A_121, %ge3A : i32
        %not3A = arith.constant true
        %not3A_163 = arith.xori %ge3A_162, %not3A : i1
        %and3A = arith.andi %or3A_161, %not3A_163 : i1
        %convert_element_type3A = arith.extui %and3A : i1 to i32
        %cond3A = arith.constant 0 : i32
        %cond3A_164 = arith.cmpi ne, %convert_element_type3A, %cond3A : i32
        scf.if %cond3A_164 {
          "tpu.trace_start"() <{level = 10 : i32, message = "ep_copy_in"}> : () -> ()
          %rem3A_274 = arith.constant 2 : i32
          %rem3A_275 = arith.remui %scan3A_122, %rem3A_274 : i32
          %mul3A_276 = arith.constant 1 : i32
          %mul3A_277 = arith.muli %mul3A_276, %add3A_149 : i32
          %dma_start3A_278 = arith.constant 0 : i32
          %dma_start3A_279 = arith.constant 0 : i32
          %dma_start3A_280 = tpu.memref_slice %run_scoped3A[%rem3A_275, %dma_start3A_278, %dma_start3A_279] : memref<2x1x128xi32, #tpu.memory_space<vmem>> -> memref<1x1x128xi32, #tpu.memory_space<vmem>>
          %dma_start3A_281 = tpu.memref_squeeze %dma_start3A_280 : memref<1x1x128xi32, #tpu.memory_space<vmem>> -> memref<1x128xi32, #tpu.memory_space<vmem>>
          %dma_start3A_282 = arith.constant 0 : i32
          %dma_start3A_283 = tpu.memref_slice %arg3[%mul3A_277, %dma_start3A_282] : memref<1600x128xi32, #tpu.memory_space<hbm>> -> memref<1x128xi32, #tpu.memory_space<hbm>>
          %dma_start3A_284 = tpu.memref_slice %run_scoped3A_7[%rem3A_275] : memref<2x!tpu.dma_semaphore, #tpu.memory_space<semaphore_mem>> -> memref<1x!tpu.dma_semaphore, #tpu.memory_space<semaphore_mem>>
          %dma_start3A_285 = tpu.memref_squeeze %dma_start3A_284 : memref<1x!tpu.dma_semaphore, #tpu.memory_space<semaphore_mem>> -> memref<!tpu.dma_semaphore, #tpu.memory_space<semaphore_mem>>
          %dma_start3A_286 = arith.constant 0 : i32
          %dma_start3A_287 = arith.constant 0 : i32
          %dma_start3A_288 = tpu.memref_slice %run_scoped3A[%rem3A_275, %dma_start3A_286, %dma_start3A_287] : memref<2x1x128xi32, #tpu.memory_space<vmem>> -> memref<1x1x128xi32, #tpu.memory_space<vmem>>
          %dma_start3A_289 = tpu.memref_squeeze %dma_start3A_288 : memref<1x1x128xi32, #tpu.memory_space<vmem>> -> memref<1x128xi32, #tpu.memory_space<vmem>>
          %dma_start3A_290 = arith.constant 0 : i32
          %dma_start3A_291 = tpu.memref_slice %arg3[%mul3A_277, %dma_start3A_290] : memref<1600x128xi32, #tpu.memory_space<hbm>> -> memref<1x128xi32, #tpu.memory_space<hbm>>
          tpu.enqueue_dma source(%dma_start3A_291 : memref<1x128xi32, #tpu.memory_space<hbm>>) target(%dma_start3A_289 : memref<1x128xi32, #tpu.memory_space<vmem>>) target_semaphore(%dma_start3A_285 : memref<!tpu.dma_semaphore, #tpu.memory_space<semaphore_mem>>)
          "tpu.trace_stop"() : () -> ()
        } else {
        }
        %and3A_165 = arith.constant true
        %and3A_166 = arith.andi %and3A, %and3A_165 : i1
        %add3A_167 = arith.constant 1 : i32
        %add3A_168 = arith.addi %scan3A_122, %add3A_167 : i32
        %select_n3A_169 = arith.select %and3A_166, %add3A_168, %scan3A_122 : i32
        %ne3A_170 = arith.cmpi ne, %add3A_131, %add3A_149 : i32
        %or3A_171 = arith.constant false
        %or3A_172 = arith.ori %or3A_171, %ne3A_170 : i1
        %or3A_173 = arith.constant false
        %or3A_174 = arith.ori %or3A_172, %or3A_173 : i1
        %ge3A_175 = arith.constant 49 : i32
        %ge3A_176 = arith.cmpi sge, %scan3A_121, %ge3A_175 : i32
        %not3A_177 = arith.constant true
        %not3A_178 = arith.xori %ge3A_176, %not3A_177 : i1
        %and3A_179 = arith.andi %or3A_174, %not3A_178 : i1
        %ne3A_180 = arith.cmpi ne, %add3A_131, %add3A_140 : i32
        %or3A_181 = arith.constant false
        %or3A_182 = arith.ori %or3A_181, %ne3A_180 : i1
        %or3A_183 = arith.constant false
        %or3A_184 = arith.ori %or3A_182, %or3A_183 : i1
        %or3A_185 = arith.ori %or3A_184, %eq3A_128 : i1
        %convert_element_type3A_186 = arith.extui %or3A_185 : i1 to i32
        %cond3A_187 = arith.constant 0 : i32
        %cond3A_188 = arith.cmpi ne, %convert_element_type3A_186, %cond3A_187 : i32
        scf.if %cond3A_188 {
          "tpu.trace_start"() <{level = 10 : i32, message = "ep_wait_in"}> : () -> ()
          %mul3A_274 = arith.constant 1 : i32
          %mul3A_275 = arith.muli %mul3A_274, %add3A_131 : i32
          %rem3A_276 = arith.constant 2 : i32
          %rem3A_277 = arith.remui %scan3A_123, %rem3A_276 : i32
          %dma_wait3A_278 = arith.constant 0 : i32
          %dma_wait3A_279 = arith.constant 0 : i32
          %dma_wait3A_280 = tpu.memref_slice %run_scoped3A[%rem3A_277, %dma_wait3A_278, %dma_wait3A_279] : memref<2x1x128xi32, #tpu.memory_space<vmem>> -> memref<1x1x128xi32, #tpu.memory_space<vmem>>
          %dma_wait3A_281 = tpu.memref_squeeze %dma_wait3A_280 : memref<1x1x128xi32, #tpu.memory_space<vmem>> -> memref<1x128xi32, #tpu.memory_space<vmem>>
          %dma_wait3A_282 = arith.constant 0 : i32
          %dma_wait3A_283 = tpu.memref_slice %arg3[%mul3A_275, %dma_wait3A_282] : memref<1600x128xi32, #tpu.memory_space<hbm>> -> memref<1x128xi32, #tpu.memory_space<hbm>>
          %dma_wait3A_284 = tpu.memref_slice %run_scoped3A_7[%rem3A_277] : memref<2x!tpu.dma_semaphore, #tpu.memory_space<semaphore_mem>> -> memref<1x!tpu.dma_semaphore, #tpu.memory_space<semaphore_mem>>
          %dma_wait3A_285 = tpu.memref_squeeze %dma_wait3A_284 : memref<1x!tpu.dma_semaphore, #tpu.memory_space<semaphore_mem>> -> memref<!tpu.dma_semaphore, #tpu.memory_space<semaphore_mem>>
          %dma_wait3A_286 = arith.constant 0 : i32
          %dma_wait3A_287 = arith.constant 0 : i32
          %dma_wait3A_288 = tpu.memref_slice %run_scoped3A[%rem3A_277, %dma_wait3A_286, %dma_wait3A_287] : memref<2x1x128xi32, #tpu.memory_space<vmem>> -> memref<1x1x128xi32, #tpu.memory_space<vmem>>
          %dma_wait3A_289 = tpu.memref_squeeze %dma_wait3A_288 : memref<1x1x128xi32, #tpu.memory_space<vmem>> -> memref<1x128xi32, #tpu.memory_space<vmem>>
          %dma_wait3A_290 = arith.constant 0 : i32
          %dma_wait3A_291 = tpu.memref_slice %arg3[%mul3A_275, %dma_wait3A_290] : memref<1600x128xi32, #tpu.memory_space<hbm>> -> memref<1x128xi32, #tpu.memory_space<hbm>>
          tpu.wait_dma2 semaphore(%dma_wait3A_285 : memref<!tpu.dma_semaphore, #tpu.memory_space<semaphore_mem>>) src(%dma_wait3A_291 : memref<1x128xi32, #tpu.memory_space<hbm>>) dst(%dma_wait3A_289 : memref<1x128xi32, #tpu.memory_space<vmem>>)
          "tpu.trace_stop"() : () -> ()
        } else {
        }
        %ne3A_189 = arith.cmpi ne, %add3A_131, %add3A_140 : i32
        %or3A_190 = arith.constant false
        %or3A_191 = arith.ori %or3A_190, %ne3A_189 : i1
        %or3A_192 = arith.constant false
        %or3A_193 = arith.ori %or3A_191, %or3A_192 : i1
        %or3A_194 = arith.ori %or3A_193, %eq3A_128 : i1
        %convert_element_type3A_195 = arith.extui %or3A_194 : i1 to i32
        %cond3A_196 = arith.constant 0 : i32
        %cond3A_197 = arith.cmpi ne, %convert_element_type3A_195, %cond3A_196 : i32
        scf.if %cond3A_197 {
        } else {
        }
        %rem3A_198 = arith.constant 2 : i32
        %rem3A_199 = arith.remui %scan3A_123, %rem3A_198 : i32
        %rem3A_200 = arith.constant 2 : i32
        %rem3A_201 = arith.remui %scan3A_124, %rem3A_200 : i32
        %run_scoped3A_202 = arith.constant 0 : i32
        "tpu.trace_start"() <{level = 10 : i32, message = "ep_run_kernel"}> : () -> ()
        "tpu.region"() ({
          %run_scoped3A_274 = tpu.sem_alloc : memref<!tpu.dma_semaphore, #tpu.memory_space<semaphore_mem>>
          %dma_start3A_275 = arith.constant 0 : i32
          %dma_start3A_276 = arith.constant 0 : i32
          %dma_start3A_277 = tpu.memref_slice %run_scoped3A_8[%rem3A_201, %dma_start3A_275, %dma_start3A_276] : memref<2x128x128xf32, #tpu.memory_space<vmem>> -> memref<1x128x128xf32, #tpu.memory_space<vmem>>
          %dma_start3A_278 = tpu.memref_squeeze %dma_start3A_277 : memref<1x128x128xf32, #tpu.memory_space<vmem>> -> memref<128x128xf32, #tpu.memory_space<vmem>>
          %dma_start3A_279 = arith.constant 0 : i32
          %dma_start3A_280 = arith.constant 0 : i32
          %dma_start3A_281 = tpu.memref_slice %run_scoped3A[%rem3A_199, %dma_start3A_279, %dma_start3A_280] : memref<2x1x128xi32, #tpu.memory_space<vmem>> -> memref<1x1x128xi32, #tpu.memory_space<vmem>>
          %dma_start3A_282 = tpu.memref_squeeze %dma_start3A_281 : memref<1x1x128xi32, #tpu.memory_space<vmem>> -> memref<1x128xi32, #tpu.memory_space<vmem>>
          %dma_start3A_283 = arith.constant 0 : i32
          %dma_start3A_284 = tpu.memref_slice %dma_start3A_282[%run_scoped3A_202, %dma_start3A_283] : memref<1x128xi32, #tpu.memory_space<vmem>> -> memref<1x128xi32, #tpu.memory_space<vmem>>
          %dma_start3A_285 = tpu.memref_squeeze %dma_start3A_284 : memref<1x128xi32, #tpu.memory_space<vmem>> -> memref<128xi32, #tpu.memory_space<vmem>>
          %dma_start3A_286 = arith.constant 0 : i32
          %dma_start3A_287 = arith.constant 0 : i32
          %dma_start3A_288 = tpu.memref_slice %arg2[%dma_start3A_286, %dma_start3A_287] : memref<1000000x128xf32, #tpu.memory_space<hbm>> -> memref<1000000x128xf32, #tpu.memory_space<hbm>>
          tpu.enqueue_indirect_dma source(%dma_start3A_288 : memref<1000000x128xf32, #tpu.memory_space<hbm>>) target(%dma_start3A_278 : memref<128x128xf32, #tpu.memory_space<vmem>>) offsets(%dma_start3A_285 : memref<128xi32, #tpu.memory_space<vmem>>) semaphore(%run_scoped3A_274 : memref<!tpu.dma_semaphore, #tpu.memory_space<semaphore_mem>>)
          %dma_wait3A_289 = arith.constant 0 : i32
          %dma_wait3A_290 = arith.constant 0 : i32
          %dma_wait3A_291 = tpu.memref_slice %run_scoped3A_8[%rem3A_201, %dma_wait3A_289, %dma_wait3A_290] : memref<2x128x128xf32, #tpu.memory_space<vmem>> -> memref<1x128x128xf32, #tpu.memory_space<vmem>>
          %dma_wait3A_292 = tpu.memref_squeeze %dma_wait3A_291 : memref<1x128x128xf32, #tpu.memory_space<vmem>> -> memref<128x128xf32, #tpu.memory_space<vmem>>
          %dma_wait3A_293 = arith.constant 0 : i32
          %dma_wait3A_294 = arith.constant 0 : i32
          %dma_wait3A_295 = tpu.memref_slice %run_scoped3A[%rem3A_199, %dma_wait3A_293, %dma_wait3A_294] : memref<2x1x128xi32, #tpu.memory_space<vmem>> -> memref<1x1x128xi32, #tpu.memory_space<vmem>>
          %dma_wait3A_296 = tpu.memref_squeeze %dma_wait3A_295 : memref<1x1x128xi32, #tpu.memory_space<vmem>> -> memref<1x128xi32, #tpu.memory_space<vmem>>
          %dma_wait3A_297 = arith.constant 0 : i32
          %dma_wait3A_298 = tpu.memref_slice %dma_wait3A_296[%run_scoped3A_202, %dma_wait3A_297] : memref<1x128xi32, #tpu.memory_space<vmem>> -> memref<1x128xi32, #tpu.memory_space<vmem>>
          %dma_wait3A_299 = tpu.memref_squeeze %dma_wait3A_298 : memref<1x128xi32, #tpu.memory_space<vmem>> -> memref<128xi32, #tpu.memory_space<vmem>>
          %dma_wait3A_300 = arith.constant 0 : i32
          %dma_wait3A_301 = arith.constant 0 : i32
          %dma_wait3A_302 = tpu.memref_slice %arg2[%dma_wait3A_300, %dma_wait3A_301] : memref<1000000x128xf32, #tpu.memory_space<hbm>> -> memref<1000000x128xf32, #tpu.memory_space<hbm>>
          tpu.wait_indirect_dma semaphore(%run_scoped3A_274 : memref<!tpu.dma_semaphore, #tpu.memory_space<semaphore_mem>>) src(%dma_wait3A_302 : memref<1000000x128xf32, #tpu.memory_space<hbm>>) dst(%dma_wait3A_292 : memref<128x128xf32, #tpu.memory_space<vmem>>)
          tpu.yield
        }) : () -> ()
        "tpu.trace_stop"() : () -> ()
        %ne3A_203 = arith.cmpi ne, %add3A_131, %add3A_149 : i32
        %or3A_204 = arith.constant false
        %or3A_205 = arith.ori %or3A_204, %ne3A_203 : i1
        %or3A_206 = arith.constant false
        %or3A_207 = arith.ori %or3A_205, %or3A_206 : i1
        %or3A_208 = arith.ori %or3A_207, %eq3A_130 : i1
        %convert_element_type3A_209 = arith.extui %or3A_208 : i1 to i32
        %cond3A_210 = arith.constant 0 : i32
        %cond3A_211 = arith.cmpi ne, %convert_element_type3A_209, %cond3A_210 : i32
        scf.if %cond3A_211 {
        } else {
        }
        %and3A_212 = arith.constant false
        %and3A_213 = arith.andi %or3A_208, %and3A_212 : i1
        %ne3A_214 = arith.cmpi ne, %add3A_131, %add3A_149 : i32
        %or3A_215 = arith.constant false
        %or3A_216 = arith.ori %or3A_215, %ne3A_214 : i1
        %or3A_217 = arith.constant false
        %or3A_218 = arith.ori %or3A_216, %or3A_217 : i1
        %or3A_219 = arith.ori %or3A_218, %eq3A_130 : i1
        %convert_element_type3A_220 = arith.extui %or3A_219 : i1 to i32
        %cond3A_221 = arith.constant 0 : i32
        %cond3A_222 = arith.cmpi ne, %convert_element_type3A_220, %cond3A_221 : i32
        scf.if %cond3A_222 {
          "tpu.trace_start"() <{level = 10 : i32, message = "ep_copy_out"}> : () -> ()
          %rem3A_274 = arith.constant 2 : i32
          %rem3A_275 = arith.remui %scan3A_124, %rem3A_274 : i32
          %mul3A_276 = arith.constant 128 : i32
          %mul3A_277 = arith.muli %mul3A_276, %add3A_131 : i32
          %dma_start3A_278 = arith.constant 0 : i32
          %dma_start3A_279 = arith.constant 0 : i32
          %dma_start3A_280 = tpu.memref_slice %run_scoped3A_8[%rem3A_275, %dma_start3A_278, %dma_start3A_279] : memref<2x128x128xf32, #tpu.memory_space<vmem>> -> memref<1x128x128xf32, #tpu.memory_space<vmem>>
          %dma_start3A_281 = tpu.memref_squeeze %dma_start3A_280 : memref<1x128x128xf32, #tpu.memory_space<vmem>> -> memref<128x128xf32, #tpu.memory_space<vmem>>
          %dma_start3A_282 = arith.constant 0 : i32
          %dma_start3A_283 = tpu.memref_slice %arg4[%mul3A_277, %dma_start3A_282] : memref<204800x128xf32, #tpu.memory_space<hbm>> -> memref<128x128xf32, #tpu.memory_space<hbm>>
          %dma_start3A_284 = tpu.memref_slice %run_scoped3A_9[%rem3A_275] : memref<2x!tpu.dma_semaphore, #tpu.memory_space<semaphore_mem>> -> memref<1x!tpu.dma_semaphore, #tpu.memory_space<semaphore_mem>>
          %dma_start3A_285 = tpu.memref_squeeze %dma_start3A_284 : memref<1x!tpu.dma_semaphore, #tpu.memory_space<semaphore_mem>> -> memref<!tpu.dma_semaphore, #tpu.memory_space<semaphore_mem>>
          %dma_start3A_286 = arith.constant 0 : i32
          %dma_start3A_287 = tpu.memref_slice %arg4[%mul3A_277, %dma_start3A_286] : memref<204800x128xf32, #tpu.memory_space<hbm>> -> memref<128x128xf32, #tpu.memory_space<hbm>>
          %dma_start3A_288 = arith.constant 0 : i32
          %dma_start3A_289 = arith.constant 0 : i32
          %dma_start3A_290 = tpu.memref_slice %run_scoped3A_8[%rem3A_275, %dma_start3A_288, %dma_start3A_289] : memref<2x128x128xf32, #tpu.memory_space<vmem>> -> memref<1x128x128xf32, #tpu.memory_space<vmem>>
          %dma_start3A_291 = tpu.memref_squeeze %dma_start3A_290 : memref<1x128x128xf32, #tpu.memory_space<vmem>> -> memref<128x128xf32, #tpu.memory_space<vmem>>
          tpu.enqueue_dma source(%dma_start3A_291 : memref<128x128xf32, #tpu.memory_space<vmem>>) target(%dma_start3A_287 : memref<128x128xf32, #tpu.memory_space<hbm>>) target_semaphore(%dma_start3A_285 : memref<!tpu.dma_semaphore, #tpu.memory_space<semaphore_mem>>)
          "tpu.trace_stop"() : () -> ()
        } else {
        }
        %and3A_223 = arith.constant true
        %and3A_224 = arith.andi %or3A_219, %and3A_223 : i1
        %add3A_225 = arith.constant 1 : i32
        %add3A_226 = arith.addi %scan3A_124, %add3A_225 : i32
        %select_n3A_227 = arith.select %and3A_224, %add3A_226, %scan3A_124 : i32
        %ne3A_228 = arith.cmpi ne, %add3A_131, %add3A_140 : i32
        %or3A_229 = arith.constant false
        %or3A_230 = arith.ori %or3A_229, %ne3A_228 : i1
        %or3A_231 = arith.constant false
        %or3A_232 = arith.ori %or3A_230, %or3A_231 : i1
        %not3A_233 = arith.constant true
        %not3A_234 = arith.xori %eq3A_128, %not3A_233 : i1
        %and3A_235 = arith.andi %or3A_232, %not3A_234 : i1
        %convert_element_type3A_236 = arith.extui %and3A_235 : i1 to i32
        %cond3A_237 = arith.constant 0 : i32
        %cond3A_238 = arith.cmpi ne, %convert_element_type3A_236, %cond3A_237 : i32
        scf.if %cond3A_238 {
        } else {
        }
        %and3A_239 = arith.constant false
        %and3A_240 = arith.andi %and3A_235, %and3A_239 : i1
        %ne3A_241 = arith.cmpi ne, %add3A_131, %add3A_140 : i32
        %or3A_242 = arith.constant false
        %or3A_243 = arith.ori %or3A_242, %ne3A_241 : i1
        %or3A_244 = arith.constant false
        %or3A_245 = arith.ori %or3A_243, %or3A_244 : i1
        %not3A_246 = arith.constant true
        %not3A_247 = arith.xori %eq3A_128, %not3A_246 : i1
        %and3A_248 = arith.andi %or3A_245, %not3A_247 : i1
        %convert_element_type3A_249 = arith.extui %and3A_248 : i1 to i32
        %cond3A_250 = arith.constant 0 : i32
        %cond3A_251 = arith.cmpi ne, %convert_element_type3A_249, %cond3A_250 : i32
        scf.if %cond3A_251 {
          "tpu.trace_start"() <{level = 10 : i32, message = "ep_wait_out"}> : () -> ()
          %rem3A_274 = arith.constant 2 : i32
          %rem3A_275 = arith.remui %scan3A_125, %rem3A_274 : i32
          %mul3A_276 = arith.constant 128 : i32
          %mul3A_277 = arith.muli %mul3A_276, %add3A_140 : i32
          %dma_wait3A_278 = arith.constant 0 : i32
          %dma_wait3A_279 = arith.constant 0 : i32
          %dma_wait3A_280 = tpu.memref_slice %run_scoped3A_8[%rem3A_275, %dma_wait3A_278, %dma_wait3A_279] : memref<2x128x128xf32, #tpu.memory_space<vmem>> -> memref<1x128x128xf32, #tpu.memory_space<vmem>>
          %dma_wait3A_281 = tpu.memref_squeeze %dma_wait3A_280 : memref<1x128x128xf32, #tpu.memory_space<vmem>> -> memref<128x128xf32, #tpu.memory_space<vmem>>
          %dma_wait3A_282 = arith.constant 0 : i32
          %dma_wait3A_283 = tpu.memref_slice %arg4[%mul3A_277, %dma_wait3A_282] : memref<204800x128xf32, #tpu.memory_space<hbm>> -> memref<128x128xf32, #tpu.memory_space<hbm>>
          %dma_wait3A_284 = tpu.memref_slice %run_scoped3A_9[%rem3A_275] : memref<2x!tpu.dma_semaphore, #tpu.memory_space<semaphore_mem>> -> memref<1x!tpu.dma_semaphore, #tpu.memory_space<semaphore_mem>>
          %dma_wait3A_285 = tpu.memref_squeeze %dma_wait3A_284 : memref<1x!tpu.dma_semaphore, #tpu.memory_space<semaphore_mem>> -> memref<!tpu.dma_semaphore, #tpu.memory_space<semaphore_mem>>
          %dma_wait3A_286 = arith.constant 0 : i32
          %dma_wait3A_287 = tpu.memref_slice %arg4[%mul3A_277, %dma_wait3A_286] : memref<204800x128xf32, #tpu.memory_space<hbm>> -> memref<128x128xf32, #tpu.memory_space<hbm>>
          %dma_wait3A_288 = arith.constant 0 : i32
          %dma_wait3A_289 = arith.constant 0 : i32
          %dma_wait3A_290 = tpu.memref_slice %run_scoped3A_8[%rem3A_275, %dma_wait3A_288, %dma_wait3A_289] : memref<2x128x128xf32, #tpu.memory_space<vmem>> -> memref<1x128x128xf32, #tpu.memory_space<vmem>>
          %dma_wait3A_291 = tpu.memref_squeeze %dma_wait3A_290 : memref<1x128x128xf32, #tpu.memory_space<vmem>> -> memref<128x128xf32, #tpu.memory_space<vmem>>
          tpu.wait_dma2 semaphore(%dma_wait3A_285 : memref<!tpu.dma_semaphore, #tpu.memory_space<semaphore_mem>>) src(%dma_wait3A_291 : memref<128x128xf32, #tpu.memory_space<vmem>>) dst(%dma_wait3A_287 : memref<128x128xf32, #tpu.memory_space<hbm>>)
          "tpu.trace_stop"() : () -> ()
        } else {
        }
        %and3A_252 = arith.constant true
        %and3A_253 = arith.andi %and3A_248, %and3A_252 : i1
        %add3A_254 = arith.constant 1 : i32
        %add3A_255 = arith.addi %scan3A_125, %add3A_254 : i32
        %select_n3A_256 = arith.select %and3A_253, %add3A_255, %scan3A_125 : i32
        %ne3A_257 = arith.cmpi ne, %add3A_131, %add3A_149 : i32
        %or3A_258 = arith.constant false
        %or3A_259 = arith.ori %or3A_258, %ne3A_257 : i1
        %or3A_260 = arith.constant false
        %or3A_261 = arith.ori %or3A_259, %or3A_260 : i1
        %or3A_262 = arith.ori %or3A_261, %eq3A_130 : i1
        %add3A_263 = arith.constant 1 : i32
        %add3A_264 = arith.addi %scan3A_123, %add3A_263 : i32
        %select_n3A_265 = arith.select %or3A_262, %add3A_264, %scan3A_123 : i32
        %add3A_266 = arith.constant 1 : i32
        %add3A_267 = arith.addi %scan3A_126, %add3A_266 : i32
        %select_n3A_268 = arith.constant true
        %select_n3A_269 = arith.select %select_n3A_268, %add3A_267, %scan3A_126 : i32
        %eq3A_270 = arith.constant 50 : i32
        %eq3A_271 = arith.cmpi eq, %select_n3A_269, %eq3A_270 : i32
        %select_n3A_272 = arith.constant 0 : i32
        %select_n3A_273 = arith.select %eq3A_271, %select_n3A_272, %select_n3A_269 : i32
        scf.yield %select_n3A_169, %select_n3A_265, %select_n3A_227, %select_n3A_256, %select_n3A_273 : i32, i32, i32, i32, i32
      }
      %scan3A_68 = arith.constant 50 : i32
      %sub3A = arith.constant 1 : i32
      %sub3A_69 = arith.subi %scan3A_67#4, %sub3A : i32
      %select_n3A_70 = arith.constant true
      %select_n3A_71 = arith.select %select_n3A_70, %sub3A_69, %scan3A_67#4 : i32
      %eq3A_72 = arith.constant -1 : i32
      %eq3A_73 = arith.cmpi eq, %select_n3A_71, %eq3A_72 : i32
      %select_n3A_74 = arith.constant 49 : i32
      %select_n3A_75 = arith.select %eq3A_73, %select_n3A_74, %select_n3A_71 : i32
      %add3A_76 = arith.addi %select_n3A_75, %mul3A_6 : i32
      %sub3A_77 = arith.constant 1 : i32
      %sub3A_78 = arith.subi %select_n3A_75, %sub3A_77 : i32
      %select_n3A_79 = arith.constant true
      %select_n3A_80 = arith.select %select_n3A_79, %sub3A_78, %select_n3A_75 : i32
      %eq3A_81 = arith.constant -1 : i32
      %eq3A_82 = arith.cmpi eq, %select_n3A_80, %eq3A_81 : i32
      %select_n3A_83 = arith.constant 49 : i32
      %select_n3A_84 = arith.select %eq3A_82, %select_n3A_83, %select_n3A_80 : i32
      %add3A_85 = arith.addi %select_n3A_84, %mul3A_6 : i32
      %add3A_86 = arith.constant 1 : i32
      %add3A_87 = arith.addi %select_n3A_75, %add3A_86 : i32
      %select_n3A_88 = arith.constant true
      %select_n3A_89 = arith.select %select_n3A_88, %add3A_87, %select_n3A_75 : i32
      %eq3A_90 = arith.constant 50 : i32
      %eq3A_91 = arith.cmpi eq, %select_n3A_89, %eq3A_90 : i32
      %select_n3A_92 = arith.constant 0 : i32
      %select_n3A_93 = arith.select %eq3A_91, %select_n3A_92, %select_n3A_89 : i32
      %add3A_94 = arith.addi %select_n3A_93, %mul3A_6 : i32
      %add3A_95 = arith.constant 1 : i32
      %add3A_96 = arith.addi %select_n3A_93, %add3A_95 : i32
      %select_n3A_97 = arith.constant true
      %select_n3A_98 = arith.select %select_n3A_97, %add3A_96, %select_n3A_93 : i32
      %eq3A_99 = arith.constant 50 : i32
      %eq3A_100 = arith.cmpi eq, %select_n3A_98, %eq3A_99 : i32
      %select_n3A_101 = arith.constant 0 : i32
      %select_n3A_102 = arith.select %eq3A_100, %select_n3A_101, %select_n3A_98 : i32
      %add3A_103 = arith.addi %select_n3A_102, %mul3A_6 : i32
      "tpu.trace_start"() <{level = 10 : i32, message = "ep_finalize"}> : () -> ()
      %rem3A_104 = arith.constant 2 : i32
      %rem3A_105 = arith.remui %scan3A_67#3, %rem3A_104 : i32
      %mul3A_106 = arith.constant 128 : i32
      %mul3A_107 = arith.muli %mul3A_106, %add3A_76 : i32
      %dma_wait3A = arith.constant 0 : i32
      %dma_wait3A_108 = arith.constant 0 : i32
      %dma_wait3A_109 = tpu.memref_slice %run_scoped3A_8[%rem3A_105, %dma_wait3A, %dma_wait3A_108] : memref<2x128x128xf32, #tpu.memory_space<vmem>> -> memref<1x128x128xf32, #tpu.memory_space<vmem>>
      %dma_wait3A_110 = tpu.memref_squeeze %dma_wait3A_109 : memref<1x128x128xf32, #tpu.memory_space<vmem>> -> memref<128x128xf32, #tpu.memory_space<vmem>>
      %dma_wait3A_111 = arith.constant 0 : i32
      %dma_wait3A_112 = tpu.memref_slice %arg4[%mul3A_107, %dma_wait3A_111] : memref<204800x128xf32, #tpu.memory_space<hbm>> -> memref<128x128xf32, #tpu.memory_space<hbm>>
      %dma_wait3A_113 = tpu.memref_slice %run_scoped3A_9[%rem3A_105] : memref<2x!tpu.dma_semaphore, #tpu.memory_space<semaphore_mem>> -> memref<1x!tpu.dma_semaphore, #tpu.memory_space<semaphore_mem>>
      %dma_wait3A_114 = tpu.memref_squeeze %dma_wait3A_113 : memref<1x!tpu.dma_semaphore, #tpu.memory_space<semaphore_mem>> -> memref<!tpu.dma_semaphore, #tpu.memory_space<semaphore_mem>>
      %dma_wait3A_115 = arith.constant 0 : i32
      %dma_wait3A_116 = tpu.memref_slice %arg4[%mul3A_107, %dma_wait3A_115] : memref<204800x128xf32, #tpu.memory_space<hbm>> -> memref<128x128xf32, #tpu.memory_space<hbm>>
      %dma_wait3A_117 = arith.constant 0 : i32
      %dma_wait3A_118 = arith.constant 0 : i32
      %dma_wait3A_119 = tpu.memref_slice %run_scoped3A_8[%rem3A_105, %dma_wait3A_117, %dma_wait3A_118] : memref<2x128x128xf32, #tpu.memory_space<vmem>> -> memref<1x128x128xf32, #tpu.memory_space<vmem>>
      %dma_wait3A_120 = tpu.memref_squeeze %dma_wait3A_119 : memref<1x128x128xf32, #tpu.memory_space<vmem>> -> memref<128x128xf32, #tpu.memory_space<vmem>>
      tpu.wait_dma2 semaphore(%dma_wait3A_114 : memref<!tpu.dma_semaphore, #tpu.memory_space<semaphore_mem>>) src(%dma_wait3A_120 : memref<128x128xf32, #tpu.memory_space<vmem>>) dst(%dma_wait3A_116 : memref<128x128xf32, #tpu.memory_space<hbm>>)
      "tpu.trace_stop"() : () -> ()
      tpu.yield
    }) : () -> ()
    return
  }
}

#map = affine_map<(d0, d1) -> (0, 0)>
module attributes {stable_mosaic.version = 14 : i64} {
  func.func @kern(%arg0: i32, %arg1: i32, %arg2: memref<1000x32xf32, #tpu.memory_space<hbm>>, %arg3: memref<1000x32xf32, #tpu.memory_space<hbm>>, %arg4: memref<1600x128xi32, #tpu.memory_space<hbm>>, %arg5: memref<1600x128xi32, #tpu.memory_space<hbm>>, %arg6: memref<204800x32xf32, #tpu.memory_space<hbm>>, %arg7: memref<204800x32xf32, #tpu.memory_space<hbm>>) attributes {dimension_semantics = [#tpu.dimension_semantics<core_parallel>, #tpu.dimension_semantics<subcore_parallel>], iteration_bounds = array<i64: 2, 16>, scalar_prefetch = 0 : i64, scratch_operands = 0 : i64, tpu.core_type = #tpu.core_type<sc_vector_subcore>, window_params = [{transform_indices = #map}, {transform_indices = #map}, {transform_indices = #map}, {transform_indices = #map}, {transform_indices = #map}, {transform_indices = #map}]} {
    %mul3A = arith.constant 1 : i32
    %mul3A_0 = arith.muli %arg1, %mul3A : i32
    %add3A = arith.constant 0 : i32
    %add3A_1 = arith.addi %add3A, %mul3A_0 : i32
    %mul3A_2 = arith.constant 16 : i32
    %mul3A_3 = arith.muli %arg0, %mul3A_2 : i32
    %add3A_4 = arith.addi %add3A_1, %mul3A_3 : i32
    %mul3A_5 = arith.constant 50 : i32
    %mul3A_6 = arith.muli %add3A_4, %mul3A_5 : i32
    "tpu.region"() ({
      %run_scoped3A = memref.alloca() : memref<2x1x128xi32, #tpu.memory_space<vmem>>
      %run_scoped3A_7 = tpu.sem_alloc : memref<2x!tpu.dma_semaphore, #tpu.memory_space<semaphore_mem>>
      %run_scoped3A_8 = memref.alloca() : memref<2x1x128xi32, #tpu.memory_space<vmem>>
      %run_scoped3A_9 = tpu.sem_alloc : memref<2x!tpu.dma_semaphore, #tpu.memory_space<semaphore_mem>>
      %run_scoped3A_10 = memref.alloca() : memref<2x128x32xf32, #tpu.memory_space<vmem>>
      %run_scoped3A_11 = tpu.sem_alloc : memref<2x!tpu.dma_semaphore, #tpu.memory_space<semaphore_mem>>
      %run_scoped3A_12 = memref.alloca() : memref<2x128x32xf32, #tpu.memory_space<vmem>>
      %run_scoped3A_13 = tpu.sem_alloc : memref<2x!tpu.dma_semaphore, #tpu.memory_space<semaphore_mem>>
      %add3A_14 = arith.constant 0 : i32
      %add3A_15 = arith.addi %add3A_14, %mul3A_6 : i32
      %select_n3A = arith.constant true
      %select_n3A_16 = arith.constant 0 : i32
      %select_n3A_17 = arith.constant -1 : i32
      %select_n3A_18 = arith.select %select_n3A, %select_n3A_17, %select_n3A_16 : i32
      %eq3A = arith.constant -1 : i32
      %eq3A_19 = arith.cmpi eq, %select_n3A_18, %eq3A : i32
      %select_n3A_20 = arith.constant 49 : i32
      %select_n3A_21 = arith.select %eq3A_19, %select_n3A_20, %select_n3A_18 : i32
      %add3A_22 = arith.addi %select_n3A_21, %mul3A_6 : i32
      %select_n3A_23 = arith.constant true
      %select_n3A_24 = arith.constant 0 : i32
      %select_n3A_25 = arith.constant 1 : i32
      %select_n3A_26 = arith.select %select_n3A_23, %select_n3A_25, %select_n3A_24 : i32
      %eq3A_27 = arith.constant 50 : i32
      %eq3A_28 = arith.cmpi eq, %select_n3A_26, %eq3A_27 : i32
      %select_n3A_29 = arith.constant 0 : i32
      %select_n3A_30 = arith.select %eq3A_28, %select_n3A_29, %select_n3A_26 : i32
      %add3A_31 = arith.addi %select_n3A_30, %mul3A_6 : i32
      %add3A_32 = arith.constant 1 : i32
      %add3A_33 = arith.addi %select_n3A_30, %add3A_32 : i32
      %select_n3A_34 = arith.constant true
      %select_n3A_35 = arith.select %select_n3A_34, %add3A_33, %select_n3A_30 : i32
      %eq3A_36 = arith.constant 50 : i32
      %eq3A_37 = arith.cmpi eq, %select_n3A_35, %eq3A_36 : i32
      %select_n3A_38 = arith.constant 0 : i32
      %select_n3A_39 = arith.select %eq3A_37, %select_n3A_38, %select_n3A_35 : i32
      %add3A_40 = arith.addi %select_n3A_39, %mul3A_6 : i32
      "tpu.trace_start"() <{level = 10 : i32, message = "ep_initialize_0"}> : () -> ()
      %rem3A = arith.constant 0 : i32
      %rem3A_41 = arith.constant 2 : i32
      %rem3A_42 = arith.remui %rem3A, %rem3A_41 : i32
      %mul3A_43 = arith.constant 1 : i32
      %mul3A_44 = arith.muli %mul3A_43, %add3A_15 : i32
      %dma_start3A = arith.constant 0 : i32
      %dma_start3A_45 = arith.constant 0 : i32
      %dma_start3A_46 = tpu.memref_slice %run_scoped3A[%rem3A_42, %dma_start3A, %dma_start3A_45] : memref<2x1x128xi32, #tpu.memory_space<vmem>> -> memref<1x1x128xi32, #tpu.memory_space<vmem>>
      %dma_start3A_47 = tpu.memref_squeeze %dma_start3A_46 : memref<1x1x128xi32, #tpu.memory_space<vmem>> -> memref<1x128xi32, #tpu.memory_space<vmem>>
      %dma_start3A_48 = arith.constant 0 : i32
      %dma_start3A_49 = tpu.memref_slice %arg4[%mul3A_44, %dma_start3A_48] : memref<1600x128xi32, #tpu.memory_space<hbm>> -> memref<1x128xi32, #tpu.memory_space<hbm>>
      %dma_start3A_50 = tpu.memref_slice %run_scoped3A_7[%rem3A_42] : memref<2x!tpu.dma_semaphore, #tpu.memory_space<semaphore_mem>> -> memref<1x!tpu.dma_semaphore, #tpu.memory_space<semaphore_mem>>
      %dma_start3A_51 = tpu.memref_squeeze %dma_start3A_50 : memref<1x!tpu.dma_semaphore, #tpu.memory_space<semaphore_mem>> -> memref<!tpu.dma_semaphore, #tpu.memory_space<semaphore_mem>>
      %dma_start3A_52 = arith.constant 0 : i32
      %dma_start3A_53 = arith.constant 0 : i32
      %dma_start3A_54 = tpu.memref_slice %run_scoped3A[%rem3A_42, %dma_start3A_52, %dma_start3A_53] : memref<2x1x128xi32, #tpu.memory_space<vmem>> -> memref<1x1x128xi32, #tpu.memory_space<vmem>>
      %dma_start3A_55 = tpu.memref_squeeze %dma_start3A_54 : memref<1x1x128xi32, #tpu.memory_space<vmem>> -> memref<1x128xi32, #tpu.memory_space<vmem>>
      %dma_start3A_56 = arith.constant 0 : i32
      %dma_start3A_57 = tpu.memref_slice %arg4[%mul3A_44, %dma_start3A_56] : memref<1600x128xi32, #tpu.memory_space<hbm>> -> memref<1x128xi32, #tpu.memory_space<hbm>>
      tpu.enqueue_dma source(%dma_start3A_57 : memref<1x128xi32, #tpu.memory_space<hbm>>) target(%dma_start3A_55 : memref<1x128xi32, #tpu.memory_space<vmem>>) target_semaphore(%dma_start3A_51 : memref<!tpu.dma_semaphore, #tpu.memory_space<semaphore_mem>>)
      %add3A_58 = arith.constant 0 : i32
      %add3A_59 = arith.constant 1 : i32
      %add3A_60 = arith.addi %add3A_58, %add3A_59 : i32
      %select_n3A_61 = arith.constant true
      %select_n3A_62 = arith.constant 0 : i32
      %select_n3A_63 = arith.select %select_n3A_61, %add3A_60, %select_n3A_62 : i32
      %rem3A_64 = arith.constant 0 : i32
      %rem3A_65 = arith.constant 2 : i32
      %rem3A_66 = arith.remui %rem3A_64, %rem3A_65 : i32
      %mul3A_67 = arith.constant 1 : i32
      %mul3A_68 = arith.muli %mul3A_67, %add3A_15 : i32
      %dma_start3A_69 = arith.constant 0 : i32
      %dma_start3A_70 = arith.constant 0 : i32
      %dma_start3A_71 = tpu.memref_slice %run_scoped3A_8[%rem3A_66, %dma_start3A_69, %dma_start3A_70] : memref<2x1x128xi32, #tpu.memory_space<vmem>> -> memref<1x1x128xi32, #tpu.memory_space<vmem>>
      %dma_start3A_72 = tpu.memref_squeeze %dma_start3A_71 : memref<1x1x128xi32, #tpu.memory_space<vmem>> -> memref<1x128xi32, #tpu.memory_space<vmem>>
      %dma_start3A_73 = arith.constant 0 : i32
      %dma_start3A_74 = tpu.memref_slice %arg5[%mul3A_68, %dma_start3A_73] : memref<1600x128xi32, #tpu.memory_space<hbm>> -> memref<1x128xi32, #tpu.memory_space<hbm>>
      %dma_start3A_75 = tpu.memref_slice %run_scoped3A_9[%rem3A_66] : memref<2x!tpu.dma_semaphore, #tpu.memory_space<semaphore_mem>> -> memref<1x!tpu.dma_semaphore, #tpu.memory_space<semaphore_mem>>
      %dma_start3A_76 = tpu.memref_squeeze %dma_start3A_75 : memref<1x!tpu.dma_semaphore, #tpu.memory_space<semaphore_mem>> -> memref<!tpu.dma_semaphore, #tpu.memory_space<semaphore_mem>>
      %dma_start3A_77 = arith.constant 0 : i32
      %dma_start3A_78 = arith.constant 0 : i32
      %dma_start3A_79 = tpu.memref_slice %run_scoped3A_8[%rem3A_66, %dma_start3A_77, %dma_start3A_78] : memref<2x1x128xi32, #tpu.memory_space<vmem>> -> memref<1x1x128xi32, #tpu.memory_space<vmem>>
      %dma_start3A_80 = tpu.memref_squeeze %dma_start3A_79 : memref<1x1x128xi32, #tpu.memory_space<vmem>> -> memref<1x128xi32, #tpu.memory_space<vmem>>
      %dma_start3A_81 = arith.constant 0 : i32
      %dma_start3A_82 = tpu.memref_slice %arg5[%mul3A_68, %dma_start3A_81] : memref<1600x128xi32, #tpu.memory_space<hbm>> -> memref<1x128xi32, #tpu.memory_space<hbm>>
      tpu.enqueue_dma source(%dma_start3A_82 : memref<1x128xi32, #tpu.memory_space<hbm>>) target(%dma_start3A_80 : memref<1x128xi32, #tpu.memory_space<vmem>>) target_semaphore(%dma_start3A_76 : memref<!tpu.dma_semaphore, #tpu.memory_space<semaphore_mem>>)
      %add3A_83 = arith.constant 0 : i32
      %add3A_84 = arith.constant 1 : i32
      %add3A_85 = arith.addi %add3A_83, %add3A_84 : i32
      %select_n3A_86 = arith.constant true
      %select_n3A_87 = arith.constant 0 : i32
      %select_n3A_88 = arith.select %select_n3A_86, %add3A_85, %select_n3A_87 : i32
      "tpu.trace_stop"() : () -> ()
      %scan3A = arith.constant 0 : i32
      %scan3A_89 = arith.constant 0 : i32
      %scan3A_90 = arith.constant 0 : i32
      %scan3A_91 = arith.constant 0 : i32
      %scan3A_92 = arith.constant 0 : i32
      %scan3A_93 = arith.constant 0 : i32
      %scan3A_94 = arith.constant 0 : i32
      %scan3A_95 = arith.constant 0 : i32
      %scan3A_96 = arith.constant 50 : i32
      %scan3A_97 = arith.addi %scan3A_95, %scan3A_96 : i32
      %scan3A_98 = arith.constant 1 : i32
      %scan3A_99:9 = scf.for %scan3A_171 = %scan3A_95 to %scan3A_97 step %scan3A_98 iter_args(%scan3A_172 = %select_n3A_63, %scan3A_173 = %scan3A, %scan3A_174 = %select_n3A_88, %scan3A_175 = %scan3A_89, %scan3A_176 = %scan3A_90, %scan3A_177 = %scan3A_91, %scan3A_178 = %scan3A_92, %scan3A_179 = %scan3A_93, %scan3A_180 = %scan3A_94) -> (i32, i32, i32, i32, i32, i32, i32, i32, i32)  : i32 {
        %eq3A_181 = arith.constant 0 : i32
        %eq3A_182 = arith.cmpi eq, %scan3A_171, %eq3A_181 : i32
        %eq3A_183 = arith.constant 49 : i32
        %eq3A_184 = arith.cmpi eq, %scan3A_171, %eq3A_183 : i32
        %add3A_185 = arith.addi %scan3A_180, %mul3A_6 : i32
        %sub3A_186 = arith.constant 1 : i32
        %sub3A_187 = arith.subi %scan3A_180, %sub3A_186 : i32
        %select_n3A_188 = arith.constant true
        %select_n3A_189 = arith.select %select_n3A_188, %sub3A_187, %scan3A_180 : i32
        %eq3A_190 = arith.constant -1 : i32
        %eq3A_191 = arith.cmpi eq, %select_n3A_189, %eq3A_190 : i32
        %select_n3A_192 = arith.constant 49 : i32
        %select_n3A_193 = arith.select %eq3A_191, %select_n3A_192, %select_n3A_189 : i32
        %add3A_194 = arith.addi %select_n3A_193, %mul3A_6 : i32
        %add3A_195 = arith.constant 1 : i32
        %add3A_196 = arith.addi %scan3A_180, %add3A_195 : i32
        %select_n3A_197 = arith.constant true
        %select_n3A_198 = arith.select %select_n3A_197, %add3A_196, %scan3A_180 : i32
        %eq3A_199 = arith.constant 50 : i32
        %eq3A_200 = arith.cmpi eq, %select_n3A_198, %eq3A_199 : i32
        %select_n3A_201 = arith.constant 0 : i32
        %select_n3A_202 = arith.select %eq3A_200, %select_n3A_201, %select_n3A_198 : i32
        %add3A_203 = arith.addi %select_n3A_202, %mul3A_6 : i32
        %add3A_204 = arith.constant 1 : i32
        %add3A_205 = arith.addi %select_n3A_202, %add3A_204 : i32
        %select_n3A_206 = arith.constant true
        %select_n3A_207 = arith.select %select_n3A_206, %add3A_205, %select_n3A_202 : i32
        %eq3A_208 = arith.constant 50 : i32
        %eq3A_209 = arith.cmpi eq, %select_n3A_207, %eq3A_208 : i32
        %select_n3A_210 = arith.constant 0 : i32
        %select_n3A_211 = arith.select %eq3A_209, %select_n3A_210, %select_n3A_207 : i32
        %add3A_212 = arith.addi %select_n3A_211, %mul3A_6 : i32
        %ne3A = arith.cmpi ne, %add3A_185, %add3A_203 : i32
        %or3A = arith.constant false
        %or3A_213 = arith.ori %or3A, %ne3A : i1
        %or3A_214 = arith.constant false
        %or3A_215 = arith.ori %or3A_213, %or3A_214 : i1
        %ge3A = arith.constant 49 : i32
        %ge3A_216 = arith.cmpi sge, %scan3A_171, %ge3A : i32
        %not3A = arith.constant true
        %not3A_217 = arith.xori %ge3A_216, %not3A : i1
        %and3A = arith.andi %or3A_215, %not3A_217 : i1
        %convert_element_type3A = arith.extui %and3A : i1 to i32
        %cond3A = arith.constant 0 : i32
        %cond3A_218 = arith.cmpi ne, %convert_element_type3A, %cond3A : i32
        scf.if %cond3A_218 {
          "tpu.trace_start"() <{level = 10 : i32, message = "ep_copy_in"}> : () -> ()
          %rem3A_442 = arith.constant 2 : i32
          %rem3A_443 = arith.remui %scan3A_172, %rem3A_442 : i32
          %mul3A_444 = arith.constant 1 : i32
          %mul3A_445 = arith.muli %mul3A_444, %add3A_203 : i32
          %dma_start3A_446 = arith.constant 0 : i32
          %dma_start3A_447 = arith.constant 0 : i32
          %dma_start3A_448 = tpu.memref_slice %run_scoped3A[%rem3A_443, %dma_start3A_446, %dma_start3A_447] : memref<2x1x128xi32, #tpu.memory_space<vmem>> -> memref<1x1x128xi32, #tpu.memory_space<vmem>>
          %dma_start3A_449 = tpu.memref_squeeze %dma_start3A_448 : memref<1x1x128xi32, #tpu.memory_space<vmem>> -> memref<1x128xi32, #tpu.memory_space<vmem>>
          %dma_start3A_450 = arith.constant 0 : i32
          %dma_start3A_451 = tpu.memref_slice %arg4[%mul3A_445, %dma_start3A_450] : memref<1600x128xi32, #tpu.memory_space<hbm>> -> memref<1x128xi32, #tpu.memory_space<hbm>>
          %dma_start3A_452 = tpu.memref_slice %run_scoped3A_7[%rem3A_443] : memref<2x!tpu.dma_semaphore, #tpu.memory_space<semaphore_mem>> -> memref<1x!tpu.dma_semaphore, #tpu.memory_space<semaphore_mem>>
          %dma_start3A_453 = tpu.memref_squeeze %dma_start3A_452 : memref<1x!tpu.dma_semaphore, #tpu.memory_space<semaphore_mem>> -> memref<!tpu.dma_semaphore, #tpu.memory_space<semaphore_mem>>
          %dma_start3A_454 = arith.constant 0 : i32
          %dma_start3A_455 = arith.constant 0 : i32
          %dma_start3A_456 = tpu.memref_slice %run_scoped3A[%rem3A_443, %dma_start3A_454, %dma_start3A_455] : memref<2x1x128xi32, #tpu.memory_space<vmem>> -> memref<1x1x128xi32, #tpu.memory_space<vmem>>
          %dma_start3A_457 = tpu.memref_squeeze %dma_start3A_456 : memref<1x1x128xi32, #tpu.memory_space<vmem>> -> memref<1x128xi32, #tpu.memory_space<vmem>>
          %dma_start3A_458 = arith.constant 0 : i32
          %dma_start3A_459 = tpu.memref_slice %arg4[%mul3A_445, %dma_start3A_458] : memref<1600x128xi32, #tpu.memory_space<hbm>> -> memref<1x128xi32, #tpu.memory_space<hbm>>
          tpu.enqueue_dma source(%dma_start3A_459 : memref<1x128xi32, #tpu.memory_space<hbm>>) target(%dma_start3A_457 : memref<1x128xi32, #tpu.memory_space<vmem>>) target_semaphore(%dma_start3A_453 : memref<!tpu.dma_semaphore, #tpu.memory_space<semaphore_mem>>)
          "tpu.trace_stop"() : () -> ()
        } else {
        }
        %and3A_219 = arith.constant true
        %and3A_220 = arith.andi %and3A, %and3A_219 : i1
        %add3A_221 = arith.constant 1 : i32
        %add3A_222 = arith.addi %scan3A_172, %add3A_221 : i32
        %select_n3A_223 = arith.select %and3A_220, %add3A_222, %scan3A_172 : i32
        %ne3A_224 = arith.cmpi ne, %add3A_185, %add3A_203 : i32
        %or3A_225 = arith.constant false
        %or3A_226 = arith.ori %or3A_225, %ne3A_224 : i1
        %or3A_227 = arith.constant false
        %or3A_228 = arith.ori %or3A_226, %or3A_227 : i1
        %ge3A_229 = arith.constant 49 : i32
        %ge3A_230 = arith.cmpi sge, %scan3A_171, %ge3A_229 : i32
        %not3A_231 = arith.constant true
        %not3A_232 = arith.xori %ge3A_230, %not3A_231 : i1
        %and3A_233 = arith.andi %or3A_228, %not3A_232 : i1
        %convert_element_type3A_234 = arith.extui %and3A_233 : i1 to i32
        %cond3A_235 = arith.constant 0 : i32
        %cond3A_236 = arith.cmpi ne, %convert_element_type3A_234, %cond3A_235 : i32
        scf.if %cond3A_236 {
          "tpu.trace_start"() <{level = 10 : i32, message = "ep_copy_in"}> : () -> ()
          %rem3A_442 = arith.constant 2 : i32
          %rem3A_443 = arith.remui %scan3A_174, %rem3A_442 : i32
          %mul3A_444 = arith.constant 1 : i32
          %mul3A_445 = arith.muli %mul3A_444, %add3A_203 : i32
          %dma_start3A_446 = arith.constant 0 : i32
          %dma_start3A_447 = arith.constant 0 : i32
          %dma_start3A_448 = tpu.memref_slice %run_scoped3A_8[%rem3A_443, %dma_start3A_446, %dma_start3A_447] : memref<2x1x128xi32, #tpu.memory_space<vmem>> -> memref<1x1x128xi32, #tpu.memory_space<vmem>>
          %dma_start3A_449 = tpu.memref_squeeze %dma_start3A_448 : memref<1x1x128xi32, #tpu.memory_space<vmem>> -> memref<1x128xi32, #tpu.memory_space<vmem>>
          %dma_start3A_450 = arith.constant 0 : i32
          %dma_start3A_451 = tpu.memref_slice %arg5[%mul3A_445, %dma_start3A_450] : memref<1600x128xi32, #tpu.memory_space<hbm>> -> memref<1x128xi32, #tpu.memory_space<hbm>>
          %dma_start3A_452 = tpu.memref_slice %run_scoped3A_9[%rem3A_443] : memref<2x!tpu.dma_semaphore, #tpu.memory_space<semaphore_mem>> -> memref<1x!tpu.dma_semaphore, #tpu.memory_space<semaphore_mem>>
          %dma_start3A_453 = tpu.memref_squeeze %dma_start3A_452 : memref<1x!tpu.dma_semaphore, #tpu.memory_space<semaphore_mem>> -> memref<!tpu.dma_semaphore, #tpu.memory_space<semaphore_mem>>
          %dma_start3A_454 = arith.constant 0 : i32
          %dma_start3A_455 = arith.constant 0 : i32
          %dma_start3A_456 = tpu.memref_slice %run_scoped3A_8[%rem3A_443, %dma_start3A_454, %dma_start3A_455] : memref<2x1x128xi32, #tpu.memory_space<vmem>> -> memref<1x1x128xi32, #tpu.memory_space<vmem>>
          %dma_start3A_457 = tpu.memref_squeeze %dma_start3A_456 : memref<1x1x128xi32, #tpu.memory_space<vmem>> -> memref<1x128xi32, #tpu.memory_space<vmem>>
          %dma_start3A_458 = arith.constant 0 : i32
          %dma_start3A_459 = tpu.memref_slice %arg5[%mul3A_445, %dma_start3A_458] : memref<1600x128xi32, #tpu.memory_space<hbm>> -> memref<1x128xi32, #tpu.memory_space<hbm>>
          tpu.enqueue_dma source(%dma_start3A_459 : memref<1x128xi32, #tpu.memory_space<hbm>>) target(%dma_start3A_457 : memref<1x128xi32, #tpu.memory_space<vmem>>) target_semaphore(%dma_start3A_453 : memref<!tpu.dma_semaphore, #tpu.memory_space<semaphore_mem>>)
          "tpu.trace_stop"() : () -> ()
        } else {
        }
        %and3A_237 = arith.constant true
        %and3A_238 = arith.andi %and3A_233, %and3A_237 : i1
        %add3A_239 = arith.constant 1 : i32
        %add3A_240 = arith.addi %scan3A_174, %add3A_239 : i32
        %select_n3A_241 = arith.select %and3A_238, %add3A_240, %scan3A_174 : i32
        %ne3A_242 = arith.cmpi ne, %add3A_185, %add3A_203 : i32
        %or3A_243 = arith.constant false
        %or3A_244 = arith.ori %or3A_243, %ne3A_242 : i1
        %or3A_245 = arith.constant false
        %or3A_246 = arith.ori %or3A_244, %or3A_245 : i1
        %ge3A_247 = arith.constant 49 : i32
        %ge3A_248 = arith.cmpi sge, %scan3A_171, %ge3A_247 : i32
        %not3A_249 = arith.constant true
        %not3A_250 = arith.xori %ge3A_248, %not3A_249 : i1
        %and3A_251 = arith.andi %or3A_246, %not3A_250 : i1
        %ne3A_252 = arith.cmpi ne, %add3A_185, %add3A_203 : i32
        %or3A_253 = arith.constant false
        %or3A_254 = arith.ori %or3A_253, %ne3A_252 : i1
        %or3A_255 = arith.constant false
        %or3A_256 = arith.ori %or3A_254, %or3A_255 : i1
        %ge3A_257 = arith.constant 49 : i32
        %ge3A_258 = arith.cmpi sge, %scan3A_171, %ge3A_257 : i32
        %not3A_259 = arith.constant true
        %not3A_260 = arith.xori %ge3A_258, %not3A_259 : i1
        %and3A_261 = arith.andi %or3A_256, %not3A_260 : i1
        %ne3A_262 = arith.cmpi ne, %add3A_185, %add3A_194 : i32
        %or3A_263 = arith.constant false
        %or3A_264 = arith.ori %or3A_263, %ne3A_262 : i1
        %or3A_265 = arith.constant false
        %or3A_266 = arith.ori %or3A_264, %or3A_265 : i1
        %or3A_267 = arith.ori %or3A_266, %eq3A_182 : i1
        %convert_element_type3A_268 = arith.extui %or3A_267 : i1 to i32
        %cond3A_269 = arith.constant 0 : i32
        %cond3A_270 = arith.cmpi ne, %convert_element_type3A_268, %cond3A_269 : i32
        scf.if %cond3A_270 {
          "tpu.trace_start"() <{level = 10 : i32, message = "ep_wait_in"}> : () -> ()
          %mul3A_442 = arith.constant 1 : i32
          %mul3A_443 = arith.muli %mul3A_442, %add3A_185 : i32
          %rem3A_444 = arith.constant 2 : i32
          %rem3A_445 = arith.remui %scan3A_173, %rem3A_444 : i32
          %dma_wait3A_446 = arith.constant 0 : i32
          %dma_wait3A_447 = arith.constant 0 : i32
          %dma_wait3A_448 = tpu.memref_slice %run_scoped3A[%rem3A_445, %dma_wait3A_446, %dma_wait3A_447] : memref<2x1x128xi32, #tpu.memory_space<vmem>> -> memref<1x1x128xi32, #tpu.memory_space<vmem>>
          %dma_wait3A_449 = tpu.memref_squeeze %dma_wait3A_448 : memref<1x1x128xi32, #tpu.memory_space<vmem>> -> memref<1x128xi32, #tpu.memory_space<vmem>>
          %dma_wait3A_450 = arith.constant 0 : i32
          %dma_wait3A_451 = tpu.memref_slice %arg4[%mul3A_443, %dma_wait3A_450] : memref<1600x128xi32, #tpu.memory_space<hbm>> -> memref<1x128xi32, #tpu.memory_space<hbm>>
          %dma_wait3A_452 = tpu.memref_slice %run_scoped3A_7[%rem3A_445] : memref<2x!tpu.dma_semaphore, #tpu.memory_space<semaphore_mem>> -> memref<1x!tpu.dma_semaphore, #tpu.memory_space<semaphore_mem>>
          %dma_wait3A_453 = tpu.memref_squeeze %dma_wait3A_452 : memref<1x!tpu.dma_semaphore, #tpu.memory_space<semaphore_mem>> -> memref<!tpu.dma_semaphore, #tpu.memory_space<semaphore_mem>>
          %dma_wait3A_454 = arith.constant 0 : i32
          %dma_wait3A_455 = arith.constant 0 : i32
          %dma_wait3A_456 = tpu.memref_slice %run_scoped3A[%rem3A_445, %dma_wait3A_454, %dma_wait3A_455] : memref<2x1x128xi32, #tpu.memory_space<vmem>> -> memref<1x1x128xi32, #tpu.memory_space<vmem>>
          %dma_wait3A_457 = tpu.memref_squeeze %dma_wait3A_456 : memref<1x1x128xi32, #tpu.memory_space<vmem>> -> memref<1x128xi32, #tpu.memory_space<vmem>>
          %dma_wait3A_458 = arith.constant 0 : i32
          %dma_wait3A_459 = tpu.memref_slice %arg4[%mul3A_443, %dma_wait3A_458] : memref<1600x128xi32, #tpu.memory_space<hbm>> -> memref<1x128xi32, #tpu.memory_space<hbm>>
          tpu.wait_dma2 semaphore(%dma_wait3A_453 : memref<!tpu.dma_semaphore, #tpu.memory_space<semaphore_mem>>) src(%dma_wait3A_459 : memref<1x128xi32, #tpu.memory_space<hbm>>) dst(%dma_wait3A_457 : memref<1x128xi32, #tpu.memory_space<vmem>>)
          "tpu.trace_stop"() : () -> ()
        } else {
        }
        %ne3A_271 = arith.cmpi ne, %add3A_185, %add3A_194 : i32
        %or3A_272 = arith.constant false
        %or3A_273 = arith.ori %or3A_272, %ne3A_271 : i1
        %or3A_274 = arith.constant false
        %or3A_275 = arith.ori %or3A_273, %or3A_274 : i1
        %or3A_276 = arith.ori %or3A_275, %eq3A_182 : i1
        %convert_element_type3A_277 = arith.extui %or3A_276 : i1 to i32
        %cond3A_278 = arith.constant 0 : i32
        %cond3A_279 = arith.cmpi ne, %convert_element_type3A_277, %cond3A_278 : i32
        scf.if %cond3A_279 {
          "tpu.trace_start"() <{level = 10 : i32, message = "ep_wait_in"}> : () -> ()
          %mul3A_442 = arith.constant 1 : i32
          %mul3A_443 = arith.muli %mul3A_442, %add3A_185 : i32
          %rem3A_444 = arith.constant 2 : i32
          %rem3A_445 = arith.remui %scan3A_175, %rem3A_444 : i32
          %dma_wait3A_446 = arith.constant 0 : i32
          %dma_wait3A_447 = arith.constant 0 : i32
          %dma_wait3A_448 = tpu.memref_slice %run_scoped3A_8[%rem3A_445, %dma_wait3A_446, %dma_wait3A_447] : memref<2x1x128xi32, #tpu.memory_space<vmem>> -> memref<1x1x128xi32, #tpu.memory_space<vmem>>
          %dma_wait3A_449 = tpu.memref_squeeze %dma_wait3A_448 : memref<1x1x128xi32, #tpu.memory_space<vmem>> -> memref<1x128xi32, #tpu.memory_space<vmem>>
          %dma_wait3A_450 = arith.constant 0 : i32
          %dma_wait3A_451 = tpu.memref_slice %arg5[%mul3A_443, %dma_wait3A_450] : memref<1600x128xi32, #tpu.memory_space<hbm>> -> memref<1x128xi32, #tpu.memory_space<hbm>>
          %dma_wait3A_452 = tpu.memref_slice %run_scoped3A_9[%rem3A_445] : memref<2x!tpu.dma_semaphore, #tpu.memory_space<semaphore_mem>> -> memref<1x!tpu.dma_semaphore, #tpu.memory_space<semaphore_mem>>
          %dma_wait3A_453 = tpu.memref_squeeze %dma_wait3A_452 : memref<1x!tpu.dma_semaphore, #tpu.memory_space<semaphore_mem>> -> memref<!tpu.dma_semaphore, #tpu.memory_space<semaphore_mem>>
          %dma_wait3A_454 = arith.constant 0 : i32
          %dma_wait3A_455 = arith.constant 0 : i32
          %dma_wait3A_456 = tpu.memref_slice %run_scoped3A_8[%rem3A_445, %dma_wait3A_454, %dma_wait3A_455] : memref<2x1x128xi32, #tpu.memory_space<vmem>> -> memref<1x1x128xi32, #tpu.memory_space<vmem>>
          %dma_wait3A_457 = tpu.memref_squeeze %dma_wait3A_456 : memref<1x1x128xi32, #tpu.memory_space<vmem>> -> memref<1x128xi32, #tpu.memory_space<vmem>>
          %dma_wait3A_458 = arith.constant 0 : i32
          %dma_wait3A_459 = tpu.memref_slice %arg5[%mul3A_443, %dma_wait3A_458] : memref<1600x128xi32, #tpu.memory_space<hbm>> -> memref<1x128xi32, #tpu.memory_space<hbm>>
          tpu.wait_dma2 semaphore(%dma_wait3A_453 : memref<!tpu.dma_semaphore, #tpu.memory_space<semaphore_mem>>) src(%dma_wait3A_459 : memref<1x128xi32, #tpu.memory_space<hbm>>) dst(%dma_wait3A_457 : memref<1x128xi32, #tpu.memory_space<vmem>>)
          "tpu.trace_stop"() : () -> ()
        } else {
        }
        %ne3A_280 = arith.cmpi ne, %add3A_185, %add3A_194 : i32
        %or3A_281 = arith.constant false
        %or3A_282 = arith.ori %or3A_281, %ne3A_280 : i1
        %or3A_283 = arith.constant false
        %or3A_284 = arith.ori %or3A_282, %or3A_283 : i1
        %or3A_285 = arith.ori %or3A_284, %eq3A_182 : i1
        %convert_element_type3A_286 = arith.extui %or3A_285 : i1 to i32
        %cond3A_287 = arith.constant 0 : i32
        %cond3A_288 = arith.cmpi ne, %convert_element_type3A_286, %cond3A_287 : i32
        scf.if %cond3A_288 {
        } else {
        }
        %ne3A_289 = arith.cmpi ne, %add3A_185, %add3A_194 : i32
        %or3A_290 = arith.constant false
        %or3A_291 = arith.ori %or3A_290, %ne3A_289 : i1
        %or3A_292 = arith.constant false
        %or3A_293 = arith.ori %or3A_291, %or3A_292 : i1
        %or3A_294 = arith.ori %or3A_293, %eq3A_182 : i1
        %convert_element_type3A_295 = arith.extui %or3A_294 : i1 to i32
        %cond3A_296 = arith.constant 0 : i32
        %cond3A_297 = arith.cmpi ne, %convert_element_type3A_295, %cond3A_296 : i32
        scf.if %cond3A_297 {
        } else {
        }
        %rem3A_298 = arith.constant 2 : i32
        %rem3A_299 = arith.remui %scan3A_173, %rem3A_298 : i32
        %rem3A_300 = arith.constant 2 : i32
        %rem3A_301 = arith.remui %scan3A_175, %rem3A_300 : i32
        %rem3A_302 = arith.constant 2 : i32
        %rem3A_303 = arith.remui %scan3A_176, %rem3A_302 : i32
        %rem3A_304 = arith.constant 2 : i32
        %rem3A_305 = arith.remui %scan3A_178, %rem3A_304 : i32
        %run_scoped3A_306 = arith.constant 0 : i32
        "tpu.trace_start"() <{level = 10 : i32, message = "ep_run_kernel"}> : () -> ()
        "tpu.region"() ({
          %run_scoped3A_442 = tpu.sem_alloc : memref<!tpu.dma_semaphore, #tpu.memory_space<semaphore_mem>>
          %dma_start3A_443 = arith.constant 0 : i32
          %dma_start3A_444 = arith.constant 0 : i32
          %dma_start3A_445 = tpu.memref_slice %run_scoped3A_10[%rem3A_303, %dma_start3A_443, %dma_start3A_444] : memref<2x128x32xf32, #tpu.memory_space<vmem>> -> memref<1x128x32xf32, #tpu.memory_space<vmem>>
          %dma_start3A_446 = tpu.memref_squeeze %dma_start3A_445 : memref<1x128x32xf32, #tpu.memory_space<vmem>> -> memref<128x32xf32, #tpu.memory_space<vmem>>
          %dma_start3A_447 = arith.constant 0 : i32
          %dma_start3A_448 = arith.constant 0 : i32
          %dma_start3A_449 = tpu.memref_slice %run_scoped3A[%rem3A_299, %dma_start3A_447, %dma_start3A_448] : memref<2x1x128xi32, #tpu.memory_space<vmem>> -> memref<1x1x128xi32, #tpu.memory_space<vmem>>
          %dma_start3A_450 = tpu.memref_squeeze %dma_start3A_449 : memref<1x1x128xi32, #tpu.memory_space<vmem>> -> memref<1x128xi32, #tpu.memory_space<vmem>>
          %dma_start3A_451 = arith.constant 0 : i32
          %dma_start3A_452 = tpu.memref_slice %dma_start3A_450[%run_scoped3A_306, %dma_start3A_451] : memref<1x128xi32, #tpu.memory_space<vmem>> -> memref<1x128xi32, #tpu.memory_space<vmem>>
          %dma_start3A_453 = tpu.memref_squeeze %dma_start3A_452 : memref<1x128xi32, #tpu.memory_space<vmem>> -> memref<128xi32, #tpu.memory_space<vmem>>
          %dma_start3A_454 = arith.constant 0 : i32
          %dma_start3A_455 = arith.constant 0 : i32
          %dma_start3A_456 = tpu.memref_slice %arg2[%dma_start3A_454, %dma_start3A_455] : memref<1000x32xf32, #tpu.memory_space<hbm>> -> memref<1000x32xf32, #tpu.memory_space<hbm>>
          tpu.enqueue_indirect_dma source(%dma_start3A_456 : memref<1000x32xf32, #tpu.memory_space<hbm>>) target(%dma_start3A_446 : memref<128x32xf32, #tpu.memory_space<vmem>>) offsets(%dma_start3A_453 : memref<128xi32, #tpu.memory_space<vmem>>) semaphore(%run_scoped3A_442 : memref<!tpu.dma_semaphore, #tpu.memory_space<semaphore_mem>>)
          %dma_wait3A_457 = arith.constant 0 : i32
          %dma_wait3A_458 = arith.constant 0 : i32
          %dma_wait3A_459 = tpu.memref_slice %run_scoped3A_10[%rem3A_303, %dma_wait3A_457, %dma_wait3A_458] : memref<2x128x32xf32, #tpu.memory_space<vmem>> -> memref<1x128x32xf32, #tpu.memory_space<vmem>>
          %dma_wait3A_460 = tpu.memref_squeeze %dma_wait3A_459 : memref<1x128x32xf32, #tpu.memory_space<vmem>> -> memref<128x32xf32, #tpu.memory_space<vmem>>
          %dma_wait3A_461 = arith.constant 0 : i32
          %dma_wait3A_462 = arith.constant 0 : i32
          %dma_wait3A_463 = tpu.memref_slice %run_scoped3A[%rem3A_299, %dma_wait3A_461, %dma_wait3A_462] : memref<2x1x128xi32, #tpu.memory_space<vmem>> -> memref<1x1x128xi32, #tpu.memory_space<vmem>>
          %dma_wait3A_464 = tpu.memref_squeeze %dma_wait3A_463 : memref<1x1x128xi32, #tpu.memory_space<vmem>> -> memref<1x128xi32, #tpu.memory_space<vmem>>
          %dma_wait3A_465 = arith.constant 0 : i32
          %dma_wait3A_466 = tpu.memref_slice %dma_wait3A_464[%run_scoped3A_306, %dma_wait3A_465] : memref<1x128xi32, #tpu.memory_space<vmem>> -> memref<1x128xi32, #tpu.memory_space<vmem>>
          %dma_wait3A_467 = tpu.memref_squeeze %dma_wait3A_466 : memref<1x128xi32, #tpu.memory_space<vmem>> -> memref<128xi32, #tpu.memory_space<vmem>>
          %dma_wait3A_468 = arith.constant 0 : i32
          %dma_wait3A_469 = arith.constant 0 : i32
          %dma_wait3A_470 = tpu.memref_slice %arg2[%dma_wait3A_468, %dma_wait3A_469] : memref<1000x32xf32, #tpu.memory_space<hbm>> -> memref<1000x32xf32, #tpu.memory_space<hbm>>
          tpu.wait_indirect_dma semaphore(%run_scoped3A_442 : memref<!tpu.dma_semaphore, #tpu.memory_space<semaphore_mem>>) src(%dma_wait3A_470 : memref<1000x32xf32, #tpu.memory_space<hbm>>) dst(%dma_wait3A_460 : memref<128x32xf32, #tpu.memory_space<vmem>>)
          tpu.yield
        }) : () -> ()
        %run_scoped3A_307 = arith.constant 0 : i32
        "tpu.region"() ({
          %run_scoped3A_442 = tpu.sem_alloc : memref<!tpu.dma_semaphore, #tpu.memory_space<semaphore_mem>>
          %dma_start3A_443 = arith.constant 0 : i32
          %dma_start3A_444 = arith.constant 0 : i32
          %dma_start3A_445 = tpu.memref_slice %run_scoped3A_12[%rem3A_305, %dma_start3A_443, %dma_start3A_444] : memref<2x128x32xf32, #tpu.memory_space<vmem>> -> memref<1x128x32xf32, #tpu.memory_space<vmem>>
          %dma_start3A_446 = tpu.memref_squeeze %dma_start3A_445 : memref<1x128x32xf32, #tpu.memory_space<vmem>> -> memref<128x32xf32, #tpu.memory_space<vmem>>
          %dma_start3A_447 = arith.constant 0 : i32
          %dma_start3A_448 = arith.constant 0 : i32
          %dma_start3A_449 = tpu.memref_slice %run_scoped3A_8[%rem3A_301, %dma_start3A_447, %dma_start3A_448] : memref<2x1x128xi32, #tpu.memory_space<vmem>> -> memref<1x1x128xi32, #tpu.memory_space<vmem>>
          %dma_start3A_450 = tpu.memref_squeeze %dma_start3A_449 : memref<1x1x128xi32, #tpu.memory_space<vmem>> -> memref<1x128xi32, #tpu.memory_space<vmem>>
          %dma_start3A_451 = arith.constant 0 : i32
          %dma_start3A_452 = tpu.memref_slice %dma_start3A_450[%run_scoped3A_307, %dma_start3A_451] : memref<1x128xi32, #tpu.memory_space<vmem>> -> memref<1x128xi32, #tpu.memory_space<vmem>>
          %dma_start3A_453 = tpu.memref_squeeze %dma_start3A_452 : memref<1x128xi32, #tpu.memory_space<vmem>> -> memref<128xi32, #tpu.memory_space<vmem>>
          %dma_start3A_454 = arith.constant 0 : i32
          %dma_start3A_455 = arith.constant 0 : i32
          %dma_start3A_456 = tpu.memref_slice %arg3[%dma_start3A_454, %dma_start3A_455] : memref<1000x32xf32, #tpu.memory_space<hbm>> -> memref<1000x32xf32, #tpu.memory_space<hbm>>
          tpu.enqueue_indirect_dma source(%dma_start3A_456 : memref<1000x32xf32, #tpu.memory_space<hbm>>) target(%dma_start3A_446 : memref<128x32xf32, #tpu.memory_space<vmem>>) offsets(%dma_start3A_453 : memref<128xi32, #tpu.memory_space<vmem>>) semaphore(%run_scoped3A_442 : memref<!tpu.dma_semaphore, #tpu.memory_space<semaphore_mem>>)
          %dma_wait3A_457 = arith.constant 0 : i32
          %dma_wait3A_458 = arith.constant 0 : i32
          %dma_wait3A_459 = tpu.memref_slice %run_scoped3A_12[%rem3A_305, %dma_wait3A_457, %dma_wait3A_458] : memref<2x128x32xf32, #tpu.memory_space<vmem>> -> memref<1x128x32xf32, #tpu.memory_space<vmem>>
          %dma_wait3A_460 = tpu.memref_squeeze %dma_wait3A_459 : memref<1x128x32xf32, #tpu.memory_space<vmem>> -> memref<128x32xf32, #tpu.memory_space<vmem>>
          %dma_wait3A_461 = arith.constant 0 : i32
          %dma_wait3A_462 = arith.constant 0 : i32
          %dma_wait3A_463 = tpu.memref_slice %run_scoped3A_8[%rem3A_301, %dma_wait3A_461, %dma_wait3A_462] : memref<2x1x128xi32, #tpu.memory_space<vmem>> -> memref<1x1x128xi32, #tpu.memory_space<vmem>>
          %dma_wait3A_464 = tpu.memref_squeeze %dma_wait3A_463 : memref<1x1x128xi32, #tpu.memory_space<vmem>> -> memref<1x128xi32, #tpu.memory_space<vmem>>
          %dma_wait3A_465 = arith.constant 0 : i32
          %dma_wait3A_466 = tpu.memref_slice %dma_wait3A_464[%run_scoped3A_307, %dma_wait3A_465] : memref<1x128xi32, #tpu.memory_space<vmem>> -> memref<1x128xi32, #tpu.memory_space<vmem>>
          %dma_wait3A_467 = tpu.memref_squeeze %dma_wait3A_466 : memref<1x128xi32, #tpu.memory_space<vmem>> -> memref<128xi32, #tpu.memory_space<vmem>>
          %dma_wait3A_468 = arith.constant 0 : i32
          %dma_wait3A_469 = arith.constant 0 : i32
          %dma_wait3A_470 = tpu.memref_slice %arg3[%dma_wait3A_468, %dma_wait3A_469] : memref<1000x32xf32, #tpu.memory_space<hbm>> -> memref<1000x32xf32, #tpu.memory_space<hbm>>
          tpu.wait_indirect_dma semaphore(%run_scoped3A_442 : memref<!tpu.dma_semaphore, #tpu.memory_space<semaphore_mem>>) src(%dma_wait3A_470 : memref<1000x32xf32, #tpu.memory_space<hbm>>) dst(%dma_wait3A_460 : memref<128x32xf32, #tpu.memory_space<vmem>>)
          tpu.yield
        }) : () -> ()
        "tpu.trace_stop"() : () -> ()
        %ne3A_308 = arith.cmpi ne, %add3A_185, %add3A_203 : i32
        %or3A_309 = arith.constant false
        %or3A_310 = arith.ori %or3A_309, %ne3A_308 : i1
        %or3A_311 = arith.constant false
        %or3A_312 = arith.ori %or3A_310, %or3A_311 : i1
        %or3A_313 = arith.ori %or3A_312, %eq3A_184 : i1
        %convert_element_type3A_314 = arith.extui %or3A_313 : i1 to i32
        %cond3A_315 = arith.constant 0 : i32
        %cond3A_316 = arith.cmpi ne, %convert_element_type3A_314, %cond3A_315 : i32
        scf.if %cond3A_316 {
        } else {
        }
        %and3A_317 = arith.constant false
        %and3A_318 = arith.andi %or3A_313, %and3A_317 : i1
        %ne3A_319 = arith.cmpi ne, %add3A_185, %add3A_203 : i32
        %or3A_320 = arith.constant false
        %or3A_321 = arith.ori %or3A_320, %ne3A_319 : i1
        %or3A_322 = arith.constant false
        %or3A_323 = arith.ori %or3A_321, %or3A_322 : i1
        %or3A_324 = arith.ori %or3A_323, %eq3A_184 : i1
        %convert_element_type3A_325 = arith.extui %or3A_324 : i1 to i32
        %cond3A_326 = arith.constant 0 : i32
        %cond3A_327 = arith.cmpi ne, %convert_element_type3A_325, %cond3A_326 : i32
        scf.if %cond3A_327 {
        } else {
        }
        %and3A_328 = arith.constant false
        %and3A_329 = arith.andi %or3A_324, %and3A_328 : i1
        %ne3A_330 = arith.cmpi ne, %add3A_185, %add3A_203 : i32
        %or3A_331 = arith.constant false
        %or3A_332 = arith.ori %or3A_331, %ne3A_330 : i1
        %or3A_333 = arith.constant false
        %or3A_334 = arith.ori %or3A_332, %or3A_333 : i1
        %or3A_335 = arith.ori %or3A_334, %eq3A_184 : i1
        %convert_element_type3A_336 = arith.extui %or3A_335 : i1 to i32
        %cond3A_337 = arith.constant 0 : i32
        %cond3A_338 = arith.cmpi ne, %convert_element_type3A_336, %cond3A_337 : i32
        scf.if %cond3A_338 {
          "tpu.trace_start"() <{level = 10 : i32, message = "ep_copy_out"}> : () -> ()
          %rem3A_442 = arith.constant 2 : i32
          %rem3A_443 = arith.remui %scan3A_176, %rem3A_442 : i32
          %mul3A_444 = arith.constant 128 : i32
          %mul3A_445 = arith.muli %mul3A_444, %add3A_185 : i32
          %dma_start3A_446 = arith.constant 0 : i32
          %dma_start3A_447 = arith.constant 0 : i32
          %dma_start3A_448 = tpu.memref_slice %run_scoped3A_10[%rem3A_443, %dma_start3A_446, %dma_start3A_447] : memref<2x128x32xf32, #tpu.memory_space<vmem>> -> memref<1x128x32xf32, #tpu.memory_space<vmem>>
          %dma_start3A_449 = tpu.memref_squeeze %dma_start3A_448 : memref<1x128x32xf32, #tpu.memory_space<vmem>> -> memref<128x32xf32, #tpu.memory_space<vmem>>
          %dma_start3A_450 = arith.constant 0 : i32
          %dma_start3A_451 = tpu.memref_slice %arg6[%mul3A_445, %dma_start3A_450] : memref<204800x32xf32, #tpu.memory_space<hbm>> -> memref<128x32xf32, #tpu.memory_space<hbm>>
          %dma_start3A_452 = tpu.memref_slice %run_scoped3A_11[%rem3A_443] : memref<2x!tpu.dma_semaphore, #tpu.memory_space<semaphore_mem>> -> memref<1x!tpu.dma_semaphore, #tpu.memory_space<semaphore_mem>>
          %dma_start3A_453 = tpu.memref_squeeze %dma_start3A_452 : memref<1x!tpu.dma_semaphore, #tpu.memory_space<semaphore_mem>> -> memref<!tpu.dma_semaphore, #tpu.memory_space<semaphore_mem>>
          %dma_start3A_454 = arith.constant 0 : i32
          %dma_start3A_455 = tpu.memref_slice %arg6[%mul3A_445, %dma_start3A_454] : memref<204800x32xf32, #tpu.memory_space<hbm>> -> memref<128x32xf32, #tpu.memory_space<hbm>>
          %dma_start3A_456 = arith.constant 0 : i32
          %dma_start3A_457 = arith.constant 0 : i32
          %dma_start3A_458 = tpu.memref_slice %run_scoped3A_10[%rem3A_443, %dma_start3A_456, %dma_start3A_457] : memref<2x128x32xf32, #tpu.memory_space<vmem>> -> memref<1x128x32xf32, #tpu.memory_space<vmem>>
          %dma_start3A_459 = tpu.memref_squeeze %dma_start3A_458 : memref<1x128x32xf32, #tpu.memory_space<vmem>> -> memref<128x32xf32, #tpu.memory_space<vmem>>
          tpu.enqueue_dma source(%dma_start3A_459 : memref<128x32xf32, #tpu.memory_space<vmem>>) target(%dma_start3A_455 : memref<128x32xf32, #tpu.memory_space<hbm>>) target_semaphore(%dma_start3A_453 : memref<!tpu.dma_semaphore, #tpu.memory_space<semaphore_mem>>)
          "tpu.trace_stop"() : () -> ()
        } else {
        }
        %and3A_339 = arith.constant true
        %and3A_340 = arith.andi %or3A_335, %and3A_339 : i1
        %add3A_341 = arith.constant 1 : i32
        %add3A_342 = arith.addi %scan3A_176, %add3A_341 : i32
        %select_n3A_343 = arith.select %and3A_340, %add3A_342, %scan3A_176 : i32
        %ne3A_344 = arith.cmpi ne, %add3A_185, %add3A_203 : i32
        %or3A_345 = arith.constant false
        %or3A_346 = arith.ori %or3A_345, %ne3A_344 : i1
        %or3A_347 = arith.constant false
        %or3A_348 = arith.ori %or3A_346, %or3A_347 : i1
        %or3A_349 = arith.ori %or3A_348, %eq3A_184 : i1
        %convert_element_type3A_350 = arith.extui %or3A_349 : i1 to i32
        %cond3A_351 = arith.constant 0 : i32
        %cond3A_352 = arith.cmpi ne, %convert_element_type3A_350, %cond3A_351 : i32
        scf.if %cond3A_352 {
          "tpu.trace_start"() <{level = 10 : i32, message = "ep_copy_out"}> : () -> ()
          %rem3A_442 = arith.constant 2 : i32
          %rem3A_443 = arith.remui %scan3A_178, %rem3A_442 : i32
          %mul3A_444 = arith.constant 128 : i32
          %mul3A_445 = arith.muli %mul3A_444, %add3A_185 : i32
          %dma_start3A_446 = arith.constant 0 : i32
          %dma_start3A_447 = arith.constant 0 : i32
          %dma_start3A_448 = tpu.memref_slice %run_scoped3A_12[%rem3A_443, %dma_start3A_446, %dma_start3A_447] : memref<2x128x32xf32, #tpu.memory_space<vmem>> -> memref<1x128x32xf32, #tpu.memory_space<vmem>>
          %dma_start3A_449 = tpu.memref_squeeze %dma_start3A_448 : memref<1x128x32xf32, #tpu.memory_space<vmem>> -> memref<128x32xf32, #tpu.memory_space<vmem>>
          %dma_start3A_450 = arith.constant 0 : i32
          %dma_start3A_451 = tpu.memref_slice %arg7[%mul3A_445, %dma_start3A_450] : memref<204800x32xf32, #tpu.memory_space<hbm>> -> memref<128x32xf32, #tpu.memory_space<hbm>>
          %dma_start3A_452 = tpu.memref_slice %run_scoped3A_13[%rem3A_443] : memref<2x!tpu.dma_semaphore, #tpu.memory_space<semaphore_mem>> -> memref<1x!tpu.dma_semaphore, #tpu.memory_space<semaphore_mem>>
          %dma_start3A_453 = tpu.memref_squeeze %dma_start3A_452 : memref<1x!tpu.dma_semaphore, #tpu.memory_space<semaphore_mem>> -> memref<!tpu.dma_semaphore, #tpu.memory_space<semaphore_mem>>
          %dma_start3A_454 = arith.constant 0 : i32
          %dma_start3A_455 = tpu.memref_slice %arg7[%mul3A_445, %dma_start3A_454] : memref<204800x32xf32, #tpu.memory_space<hbm>> -> memref<128x32xf32, #tpu.memory_space<hbm>>
          %dma_start3A_456 = arith.constant 0 : i32
          %dma_start3A_457 = arith.constant 0 : i32
          %dma_start3A_458 = tpu.memref_slice %run_scoped3A_12[%rem3A_443, %dma_start3A_456, %dma_start3A_457] : memref<2x128x32xf32, #tpu.memory_space<vmem>> -> memref<1x128x32xf32, #tpu.memory_space<vmem>>
          %dma_start3A_459 = tpu.memref_squeeze %dma_start3A_458 : memref<1x128x32xf32, #tpu.memory_space<vmem>> -> memref<128x32xf32, #tpu.memory_space<vmem>>
          tpu.enqueue_dma source(%dma_start3A_459 : memref<128x32xf32, #tpu.memory_space<vmem>>) target(%dma_start3A_455 : memref<128x32xf32, #tpu.memory_space<hbm>>) target_semaphore(%dma_start3A_453 : memref<!tpu.dma_semaphore, #tpu.memory_space<semaphore_mem>>)
          "tpu.trace_stop"() : () -> ()
        } else {
        }
        %and3A_353 = arith.constant true
        %and3A_354 = arith.andi %or3A_349, %and3A_353 : i1
        %add3A_355 = arith.constant 1 : i32
        %add3A_356 = arith.addi %scan3A_178, %add3A_355 : i32
        %select_n3A_357 = arith.select %and3A_354, %add3A_356, %scan3A_178 : i32
        %ne3A_358 = arith.cmpi ne, %add3A_185, %add3A_194 : i32
        %or3A_359 = arith.constant false
        %or3A_360 = arith.ori %or3A_359, %ne3A_358 : i1
        %or3A_361 = arith.constant false
        %or3A_362 = arith.ori %or3A_360, %or3A_361 : i1
        %not3A_363 = arith.constant true
        %not3A_364 = arith.xori %eq3A_182, %not3A_363 : i1
        %and3A_365 = arith.andi %or3A_362, %not3A_364 : i1
        %convert_element_type3A_366 = arith.extui %and3A_365 : i1 to i32
        %cond3A_367 = arith.constant 0 : i32
        %cond3A_368 = arith.cmpi ne, %convert_element_type3A_366, %cond3A_367 : i32
        scf.if %cond3A_368 {
        } else {
        }
        %and3A_369 = arith.constant false
        %and3A_370 = arith.andi %and3A_365, %and3A_369 : i1
        %ne3A_371 = arith.cmpi ne, %add3A_185, %add3A_194 : i32
        %or3A_372 = arith.constant false
        %or3A_373 = arith.ori %or3A_372, %ne3A_371 : i1
        %or3A_374 = arith.constant false
        %or3A_375 = arith.ori %or3A_373, %or3A_374 : i1
        %not3A_376 = arith.constant true
        %not3A_377 = arith.xori %eq3A_182, %not3A_376 : i1
        %and3A_378 = arith.andi %or3A_375, %not3A_377 : i1
        %convert_element_type3A_379 = arith.extui %and3A_378 : i1 to i32
        %cond3A_380 = arith.constant 0 : i32
        %cond3A_381 = arith.cmpi ne, %convert_element_type3A_379, %cond3A_380 : i32
        scf.if %cond3A_381 {
        } else {
        }
        %and3A_382 = arith.constant false
        %and3A_383 = arith.andi %and3A_378, %and3A_382 : i1
        %ne3A_384 = arith.cmpi ne, %add3A_185, %add3A_194 : i32
        %or3A_385 = arith.constant false
        %or3A_386 = arith.ori %or3A_385, %ne3A_384 : i1
        %or3A_387 = arith.constant false
        %or3A_388 = arith.ori %or3A_386, %or3A_387 : i1
        %not3A_389 = arith.constant true
        %not3A_390 = arith.xori %eq3A_182, %not3A_389 : i1
        %and3A_391 = arith.andi %or3A_388, %not3A_390 : i1
        %convert_element_type3A_392 = arith.extui %and3A_391 : i1 to i32
        %cond3A_393 = arith.constant 0 : i32
        %cond3A_394 = arith.cmpi ne, %convert_element_type3A_392, %cond3A_393 : i32
        scf.if %cond3A_394 {
          "tpu.trace_start"() <{level = 10 : i32, message = "ep_wait_out"}> : () -> ()
          %rem3A_442 = arith.constant 2 : i32
          %rem3A_443 = arith.remui %scan3A_177, %rem3A_442 : i32
          %mul3A_444 = arith.constant 128 : i32
          %mul3A_445 = arith.muli %mul3A_444, %add3A_194 : i32
          %dma_wait3A_446 = arith.constant 0 : i32
          %dma_wait3A_447 = arith.constant 0 : i32
          %dma_wait3A_448 = tpu.memref_slice %run_scoped3A_10[%rem3A_443, %dma_wait3A_446, %dma_wait3A_447] : memref<2x128x32xf32, #tpu.memory_space<vmem>> -> memref<1x128x32xf32, #tpu.memory_space<vmem>>
          %dma_wait3A_449 = tpu.memref_squeeze %dma_wait3A_448 : memref<1x128x32xf32, #tpu.memory_space<vmem>> -> memref<128x32xf32, #tpu.memory_space<vmem>>
          %dma_wait3A_450 = arith.constant 0 : i32
          %dma_wait3A_451 = tpu.memref_slice %arg6[%mul3A_445, %dma_wait3A_450] : memref<204800x32xf32, #tpu.memory_space<hbm>> -> memref<128x32xf32, #tpu.memory_space<hbm>>
          %dma_wait3A_452 = tpu.memref_slice %run_scoped3A_11[%rem3A_443] : memref<2x!tpu.dma_semaphore, #tpu.memory_space<semaphore_mem>> -> memref<1x!tpu.dma_semaphore, #tpu.memory_space<semaphore_mem>>
          %dma_wait3A_453 = tpu.memref_squeeze %dma_wait3A_452 : memref<1x!tpu.dma_semaphore, #tpu.memory_space<semaphore_mem>> -> memref<!tpu.dma_semaphore, #tpu.memory_space<semaphore_mem>>
          %dma_wait3A_454 = arith.constant 0 : i32
          %dma_wait3A_455 = tpu.memref_slice %arg6[%mul3A_445, %dma_wait3A_454] : memref<204800x32xf32, #tpu.memory_space<hbm>> -> memref<128x32xf32, #tpu.memory_space<hbm>>
          %dma_wait3A_456 = arith.constant 0 : i32
          %dma_wait3A_457 = arith.constant 0 : i32
          %dma_wait3A_458 = tpu.memref_slice %run_scoped3A_10[%rem3A_443, %dma_wait3A_456, %dma_wait3A_457] : memref<2x128x32xf32, #tpu.memory_space<vmem>> -> memref<1x128x32xf32, #tpu.memory_space<vmem>>
          %dma_wait3A_459 = tpu.memref_squeeze %dma_wait3A_458 : memref<1x128x32xf32, #tpu.memory_space<vmem>> -> memref<128x32xf32, #tpu.memory_space<vmem>>
          tpu.wait_dma2 semaphore(%dma_wait3A_453 : memref<!tpu.dma_semaphore, #tpu.memory_space<semaphore_mem>>) src(%dma_wait3A_459 : memref<128x32xf32, #tpu.memory_space<vmem>>) dst(%dma_wait3A_455 : memref<128x32xf32, #tpu.memory_space<hbm>>)
          "tpu.trace_stop"() : () -> ()
        } else {
        }
        %and3A_395 = arith.constant true
        %and3A_396 = arith.andi %and3A_391, %and3A_395 : i1
        %add3A_397 = arith.constant 1 : i32
        %add3A_398 = arith.addi %scan3A_177, %add3A_397 : i32
        %select_n3A_399 = arith.select %and3A_396, %add3A_398, %scan3A_177 : i32
        %ne3A_400 = arith.cmpi ne, %add3A_185, %add3A_194 : i32
        %or3A_401 = arith.constant false
        %or3A_402 = arith.ori %or3A_401, %ne3A_400 : i1
        %or3A_403 = arith.constant false
        %or3A_404 = arith.ori %or3A_402, %or3A_403 : i1
        %not3A_405 = arith.constant true
        %not3A_406 = arith.xori %eq3A_182, %not3A_405 : i1
        %and3A_407 = arith.andi %or3A_404, %not3A_406 : i1
        %convert_element_type3A_408 = arith.extui %and3A_407 : i1 to i32
        %cond3A_409 = arith.constant 0 : i32
        %cond3A_410 = arith.cmpi ne, %convert_element_type3A_408, %cond3A_409 : i32
        scf.if %cond3A_410 {
          "tpu.trace_start"() <{level = 10 : i32, message = "ep_wait_out"}> : () -> ()
          %rem3A_442 = arith.constant 2 : i32
          %rem3A_443 = arith.remui %scan3A_179, %rem3A_442 : i32
          %mul3A_444 = arith.constant 128 : i32
          %mul3A_445 = arith.muli %mul3A_444, %add3A_194 : i32
          %dma_wait3A_446 = arith.constant 0 : i32
          %dma_wait3A_447 = arith.constant 0 : i32
          %dma_wait3A_448 = tpu.memref_slice %run_scoped3A_12[%rem3A_443, %dma_wait3A_446, %dma_wait3A_447] : memref<2x128x32xf32, #tpu.memory_space<vmem>> -> memref<1x128x32xf32, #tpu.memory_space<vmem>>
          %dma_wait3A_449 = tpu.memref_squeeze %dma_wait3A_448 : memref<1x128x32xf32, #tpu.memory_space<vmem>> -> memref<128x32xf32, #tpu.memory_space<vmem>>
          %dma_wait3A_450 = arith.constant 0 : i32
          %dma_wait3A_451 = tpu.memref_slice %arg7[%mul3A_445, %dma_wait3A_450] : memref<204800x32xf32, #tpu.memory_space<hbm>> -> memref<128x32xf32, #tpu.memory_space<hbm>>
          %dma_wait3A_452 = tpu.memref_slice %run_scoped3A_13[%rem3A_443] : memref<2x!tpu.dma_semaphore, #tpu.memory_space<semaphore_mem>> -> memref<1x!tpu.dma_semaphore, #tpu.memory_space<semaphore_mem>>
          %dma_wait3A_453 = tpu.memref_squeeze %dma_wait3A_452 : memref<1x!tpu.dma_semaphore, #tpu.memory_space<semaphore_mem>> -> memref<!tpu.dma_semaphore, #tpu.memory_space<semaphore_mem>>
          %dma_wait3A_454 = arith.constant 0 : i32
          %dma_wait3A_455 = tpu.memref_slice %arg7[%mul3A_445, %dma_wait3A_454] : memref<204800x32xf32, #tpu.memory_space<hbm>> -> memref<128x32xf32, #tpu.memory_space<hbm>>
          %dma_wait3A_456 = arith.constant 0 : i32
          %dma_wait3A_457 = arith.constant 0 : i32
          %dma_wait3A_458 = tpu.memref_slice %run_scoped3A_12[%rem3A_443, %dma_wait3A_456, %dma_wait3A_457] : memref<2x128x32xf32, #tpu.memory_space<vmem>> -> memref<1x128x32xf32, #tpu.memory_space<vmem>>
          %dma_wait3A_459 = tpu.memref_squeeze %dma_wait3A_458 : memref<1x128x32xf32, #tpu.memory_space<vmem>> -> memref<128x32xf32, #tpu.memory_space<vmem>>
          tpu.wait_dma2 semaphore(%dma_wait3A_453 : memref<!tpu.dma_semaphore, #tpu.memory_space<semaphore_mem>>) src(%dma_wait3A_459 : memref<128x32xf32, #tpu.memory_space<vmem>>) dst(%dma_wait3A_455 : memref<128x32xf32, #tpu.memory_space<hbm>>)
          "tpu.trace_stop"() : () -> ()
        } else {
        }
        %and3A_411 = arith.constant true
        %and3A_412 = arith.andi %and3A_407, %and3A_411 : i1
        %add3A_413 = arith.constant 1 : i32
        %add3A_414 = arith.addi %scan3A_179, %add3A_413 : i32
        %select_n3A_415 = arith.select %and3A_412, %add3A_414, %scan3A_179 : i32
        %ne3A_416 = arith.cmpi ne, %add3A_185, %add3A_203 : i32
        %or3A_417 = arith.constant false
        %or3A_418 = arith.ori %or3A_417, %ne3A_416 : i1
        %or3A_419 = arith.constant false
        %or3A_420 = arith.ori %or3A_418, %or3A_419 : i1
        %or3A_421 = arith.ori %or3A_420, %eq3A_184 : i1
        %add3A_422 = arith.constant 1 : i32
        %add3A_423 = arith.addi %scan3A_173, %add3A_422 : i32
        %select_n3A_424 = arith.select %or3A_421, %add3A_423, %scan3A_173 : i32
        %ne3A_425 = arith.cmpi ne, %add3A_185, %add3A_203 : i32
        %or3A_426 = arith.constant false
        %or3A_427 = arith.ori %or3A_426, %ne3A_425 : i1
        %or3A_428 = arith.constant false
        %or3A_429 = arith.ori %or3A_427, %or3A_428 : i1
        %or3A_430 = arith.ori %or3A_429, %eq3A_184 : i1
        %add3A_431 = arith.constant 1 : i32
        %add3A_432 = arith.addi %scan3A_175, %add3A_431 : i32
        %select_n3A_433 = arith.select %or3A_430, %add3A_432, %scan3A_175 : i32
        %add3A_434 = arith.constant 1 : i32
        %add3A_435 = arith.addi %scan3A_180, %add3A_434 : i32
        %select_n3A_436 = arith.constant true
        %select_n3A_437 = arith.select %select_n3A_436, %add3A_435, %scan3A_180 : i32
        %eq3A_438 = arith.constant 50 : i32
        %eq3A_439 = arith.cmpi eq, %select_n3A_437, %eq3A_438 : i32
        %select_n3A_440 = arith.constant 0 : i32
        %select_n3A_441 = arith.select %eq3A_439, %select_n3A_440, %select_n3A_437 : i32
        scf.yield %select_n3A_223, %select_n3A_424, %select_n3A_241, %select_n3A_433, %select_n3A_343, %select_n3A_399, %select_n3A_357, %select_n3A_415, %select_n3A_441 : i32, i32, i32, i32, i32, i32, i32, i32, i32
      }
      %scan3A_100 = arith.constant 50 : i32
      %sub3A = arith.constant 1 : i32
      %sub3A_101 = arith.subi %scan3A_99#8, %sub3A : i32
      %select_n3A_102 = arith.constant true
      %select_n3A_103 = arith.select %select_n3A_102, %sub3A_101, %scan3A_99#8 : i32
      %eq3A_104 = arith.constant -1 : i32
      %eq3A_105 = arith.cmpi eq, %select_n3A_103, %eq3A_104 : i32
      %select_n3A_106 = arith.constant 49 : i32
      %select_n3A_107 = arith.select %eq3A_105, %select_n3A_106, %select_n3A_103 : i32
      %add3A_108 = arith.addi %select_n3A_107, %mul3A_6 : i32
      %sub3A_109 = arith.constant 1 : i32
      %sub3A_110 = arith.subi %select_n3A_107, %sub3A_109 : i32
      %select_n3A_111 = arith.constant true
      %select_n3A_112 = arith.select %select_n3A_111, %sub3A_110, %select_n3A_107 : i32
      %eq3A_113 = arith.constant -1 : i32
      %eq3A_114 = arith.cmpi eq, %select_n3A_112, %eq3A_113 : i32
      %select_n3A_115 = arith.constant 49 : i32
      %select_n3A_116 = arith.select %eq3A_114, %select_n3A_115, %select_n3A_112 : i32
      %add3A_117 = arith.addi %select_n3A_116, %mul3A_6 : i32
      %add3A_118 = arith.constant 1 : i32
      %add3A_119 = arith.addi %select_n3A_107, %add3A_118 : i32
      %select_n3A_120 = arith.constant true
      %select_n3A_121 = arith.select %select_n3A_120, %add3A_119, %select_n3A_107 : i32
      %eq3A_122 = arith.constant 50 : i32
      %eq3A_123 = arith.cmpi eq, %select_n3A_121, %eq3A_122 : i32
      %select_n3A_124 = arith.constant 0 : i32
      %select_n3A_125 = arith.select %eq3A_123, %select_n3A_124, %select_n3A_121 : i32
      %add3A_126 = arith.addi %select_n3A_125, %mul3A_6 : i32
      %add3A_127 = arith.constant 1 : i32
      %add3A_128 = arith.addi %select_n3A_125, %add3A_127 : i32
      %select_n3A_129 = arith.constant true
      %select_n3A_130 = arith.select %select_n3A_129, %add3A_128, %select_n3A_125 : i32
      %eq3A_131 = arith.constant 50 : i32
      %eq3A_132 = arith.cmpi eq, %select_n3A_130, %eq3A_131 : i32
      %select_n3A_133 = arith.constant 0 : i32
      %select_n3A_134 = arith.select %eq3A_132, %select_n3A_133, %select_n3A_130 : i32
      %add3A_135 = arith.addi %select_n3A_134, %mul3A_6 : i32
      "tpu.trace_start"() <{level = 10 : i32, message = "ep_finalize"}> : () -> ()
      %rem3A_136 = arith.constant 2 : i32
      %rem3A_137 = arith.remui %scan3A_99#5, %rem3A_136 : i32
      %mul3A_138 = arith.constant 128 : i32
      %mul3A_139 = arith.muli %mul3A_138, %add3A_108 : i32
      %dma_wait3A = arith.constant 0 : i32
      %dma_wait3A_140 = arith.constant 0 : i32
      %dma_wait3A_141 = tpu.memref_slice %run_scoped3A_10[%rem3A_137, %dma_wait3A, %dma_wait3A_140] : memref<2x128x32xf32, #tpu.memory_space<vmem>> -> memref<1x128x32xf32, #tpu.memory_space<vmem>>
      %dma_wait3A_142 = tpu.memref_squeeze %dma_wait3A_141 : memref<1x128x32xf32, #tpu.memory_space<vmem>> -> memref<128x32xf32, #tpu.memory_space<vmem>>
      %dma_wait3A_143 = arith.constant 0 : i32
      %dma_wait3A_144 = tpu.memref_slice %arg6[%mul3A_139, %dma_wait3A_143] : memref<204800x32xf32, #tpu.memory_space<hbm>> -> memref<128x32xf32, #tpu.memory_space<hbm>>
      %dma_wait3A_145 = tpu.memref_slice %run_scoped3A_11[%rem3A_137] : memref<2x!tpu.dma_semaphore, #tpu.memory_space<semaphore_mem>> -> memref<1x!tpu.dma_semaphore, #tpu.memory_space<semaphore_mem>>
      %dma_wait3A_146 = tpu.memref_squeeze %dma_wait3A_145 : memref<1x!tpu.dma_semaphore, #tpu.memory_space<semaphore_mem>> -> memref<!tpu.dma_semaphore, #tpu.memory_space<semaphore_mem>>
      %dma_wait3A_147 = arith.constant 0 : i32
      %dma_wait3A_148 = tpu.memref_slice %arg6[%mul3A_139, %dma_wait3A_147] : memref<204800x32xf32, #tpu.memory_space<hbm>> -> memref<128x32xf32, #tpu.memory_space<hbm>>
      %dma_wait3A_149 = arith.constant 0 : i32
      %dma_wait3A_150 = arith.constant 0 : i32
      %dma_wait3A_151 = tpu.memref_slice %run_scoped3A_10[%rem3A_137, %dma_wait3A_149, %dma_wait3A_150] : memref<2x128x32xf32, #tpu.memory_space<vmem>> -> memref<1x128x32xf32, #tpu.memory_space<vmem>>
      %dma_wait3A_152 = tpu.memref_squeeze %dma_wait3A_151 : memref<1x128x32xf32, #tpu.memory_space<vmem>> -> memref<128x32xf32, #tpu.memory_space<vmem>>
      tpu.wait_dma2 semaphore(%dma_wait3A_146 : memref<!tpu.dma_semaphore, #tpu.memory_space<semaphore_mem>>) src(%dma_wait3A_152 : memref<128x32xf32, #tpu.memory_space<vmem>>) dst(%dma_wait3A_148 : memref<128x32xf32, #tpu.memory_space<hbm>>)
      %rem3A_153 = arith.constant 2 : i32
      %rem3A_154 = arith.remui %scan3A_99#7, %rem3A_153 : i32
      %mul3A_155 = arith.constant 128 : i32
      %mul3A_156 = arith.muli %mul3A_155, %add3A_108 : i32
      %dma_wait3A_157 = arith.constant 0 : i32
      %dma_wait3A_158 = arith.constant 0 : i32
      %dma_wait3A_159 = tpu.memref_slice %run_scoped3A_12[%rem3A_154, %dma_wait3A_157, %dma_wait3A_158] : memref<2x128x32xf32, #tpu.memory_space<vmem>> -> memref<1x128x32xf32, #tpu.memory_space<vmem>>
      %dma_wait3A_160 = tpu.memref_squeeze %dma_wait3A_159 : memref<1x128x32xf32, #tpu.memory_space<vmem>> -> memref<128x32xf32, #tpu.memory_space<vmem>>
      %dma_wait3A_161 = arith.constant 0 : i32
      %dma_wait3A_162 = tpu.memref_slice %arg7[%mul3A_156, %dma_wait3A_161] : memref<204800x32xf32, #tpu.memory_space<hbm>> -> memref<128x32xf32, #tpu.memory_space<hbm>>
      %dma_wait3A_163 = tpu.memref_slice %run_scoped3A_13[%rem3A_154] : memref<2x!tpu.dma_semaphore, #tpu.memory_space<semaphore_mem>> -> memref<1x!tpu.dma_semaphore, #tpu.memory_space<semaphore_mem>>
      %dma_wait3A_164 = tpu.memref_squeeze %dma_wait3A_163 : memref<1x!tpu.dma_semaphore, #tpu.memory_space<semaphore_mem>> -> memref<!tpu.dma_semaphore, #tpu.memory_space<semaphore_mem>>
      %dma_wait3A_165 = arith.constant 0 : i32
      %dma_wait3A_166 = tpu.memref_slice %arg7[%mul3A_156, %dma_wait3A_165] : memref<204800x32xf32, #tpu.memory_space<hbm>> -> memref<128x32xf32, #tpu.memory_space<hbm>>
      %dma_wait3A_167 = arith.constant 0 : i32
      %dma_wait3A_168 = arith.constant 0 : i32
      %dma_wait3A_169 = tpu.memref_slice %run_scoped3A_12[%rem3A_154, %dma_wait3A_167, %dma_wait3A_168] : memref<2x128x32xf32, #tpu.memory_space<vmem>> -> memref<1x128x32xf32, #tpu.memory_space<vmem>>
      %dma_wait3A_170 = tpu.memref_squeeze %dma_wait3A_169 : memref<1x128x32xf32, #tpu.memory_space<vmem>> -> memref<128x32xf32, #tpu.memory_space<vmem>>
      tpu.wait_dma2 semaphore(%dma_wait3A_164 : memref<!tpu.dma_semaphore, #tpu.memory_space<semaphore_mem>>) src(%dma_wait3A_170 : memref<128x32xf32, #tpu.memory_space<vmem>>) dst(%dma_wait3A_166 : memref<128x32xf32, #tpu.memory_space<hbm>>)
      "tpu.trace_stop"() : () -> ()
      tpu.yield
    }) : () -> ()
    return
  }
}

</mosaic_0001>

<sc_bundles>
// kernel: kernel.4.cloned.1.call-start
scs
__scs_entry_jumppad:
0x0: {  	(pc) =	sbr.rel $0x88, $3  }
0x1: {  	(tag) =	ssettag $0x0;
	lr =	simm.s32 $0x1  }
0x2: {  	[smem:$0x3F9B] =	sst lr;
	_ =	strace $0xD0000000  }
0x3: {  	_ = 	snop  }
0x4: {  	_ = 	snop  }
0x5: {  	_ = 	snop  }
0x6: {  	_ = 	snop  }
0x7: {  	_ = 	snop  }
__scs_overlays_trampoline_lowered:
0x8: {  	[smem:$0x3FAA] =	sst s0  }
0x9: {  	[smem:$0x3FAB] =	sst s1  }
0xa: {  	[smem:$0x3FAC] =	sst s2  }
0xb: {  	[smem:$0x3FAD] =	sst s3  }
0xc: {  	[smem:$0x3FAE] =	sst s4  }
0xd: {  	[smem:$0x3FAF] =	sst s5  }
0xe: {  	[smem:$0x3FB0] =	sst s6  }
0xf: {  	[smem:$0x3FB1] =	sst s7  }
0x10: {  	[smem:$0x3FB2] =	sst s8  }
0x11: {  	[smem:$0x3FB3] =	sst s9;
	s0 =	simm.s32 @!p0 $0x0  }
0x12: {  	s1 =	sld [smem:$0x3F99];
	s0 =	simm.s32 @p0 $0x1  }
0x13: {  	[smem:$0x3FB4] =	sst s0;
	s0 =	simm.s32 @!p1 $0x0  }
0x14: {  	s2 =	sld [smem:$0x3F98];
	s0 =	simm.s32 @p1 $0x1  }
0x15: {  	[smem:$0x3FB5] =	sst s0;
	s0 =	simm.s32 @!p2 $0x0  }
0x16: {  	s3 =	sld [smem:$0x3FDB];
	s0 =	simm.s32 @p2 $0x1  }
0x17: {  	s4 =	simm.s32 $0x1BF5;
	[smem:$0x3FB7] =	sst s0  }
0x18: {  	s0 =	sld [smem:$0x3F9A];
	_ =	swait.ge [sflag:s4], $0x0  }
0x19: {  	s7 =	sld [smem:$0x3F9B]  }
0x1a: {  	s8 =	sadd.s32 $0xFFFFE003, lr  }
0x1b: {  	s9 =	sadd.s32 $0xFFFFFEF7, lr;
	s5 =	simm.s32 $0xFFFFFFFF;
	p2 =	slt.u32 s8, $0xFFFFF086  }
0x1c: {  	p1 =	slt.u32 s9, $0xF7A;
	s5 =	simm.s32 @!p2 $0x0  }
0x1d: {  	s5 =	simm.s32 @p1 $0x1;
	p0 =	seq.s32 s7, s2  }
0x1e: {  	s7 =	smul.u32 @!p0 $0xF7A, s2;
	p2 =	seq.s32 @!p0 s5, $0x0  }
0x1f: {  	s9 =	smul.u32 $0xF7A, s1;
	s8 =	simm.s32 @!p0 $0x1BF5;
	p2 =	por !p2, p0  }
0x20: {  	[sflag:s8] =	ssyncset.s32 @!p0 $0xFFFFF086;
	s6 =	sadd.s32 @!p0 s3, s7;
	s7 =	simm.s32 @!p0 $0x108  }
0x21: {  	s3 =	sadd.s32 s3, s9;
	s6 =	sadd.s32 @!p0 $0x88, s6;
	s7 =	simm.s32 @p2 $0x1082  }
0x22: {  	[simem:s7], [sflag:s8] =	dma.local @!p0 [hbm:s6], $0xF7A  }
0x23: {  	s9 =	sor.u32 $0xD0000000, s2;
	s6 =	simm.s32 $0x108;
	_ =	swait.ge @!p0 [sflag:s8], $0x0  }
0x24: {  	s3 =	sadd.s32 $0x88, s3;
	s6 =	simm.s32 @!p1 $0x1082;
	[sflag:s4] =	ssyncset.s32 $0xFFFFF086  }
0x25: {  	[simem:s6], [sflag:s4] =	dma.local [hbm:s3], $0xF7A  }
0x26: {  	[smem:$0x3F9B] =	sst s1;
	(tag) =	ssettag s2;
	_ =	strace s9  }
0x27: {  	s1 =	sld [smem:$0x3FAB]  }
0x28: {  	s2 =	sld [smem:$0x3FAC]  }
0x29: {  	s4 =	sld [smem:$0x3FAE]  }
0x2a: {  	p0 =	seq.s32 s5, $0x0;
	s5 =	sld [smem:$0x3FAF]  }
0x2b: {  	s6 =	sld [smem:$0x3FB0]  }
0x2c: {  	s7 =	sld [smem:$0x3FB1]  }
0x2d: {  	s3 =	simm.s32 $0x108;
	s8 =	sld [smem:$0x3FB2]  }
0x2e: {  	s3 =	simm.s32 @!p0 $0x1082;
	s9 =	sld [smem:$0x3FB3]  }
0x2f: {  	lr =	sadd.s32 s0, s3;
	s0 =	sld [smem:$0x3FAA]  }
0x30: {  	s3 =	sld [smem:$0x3FAD]  }
0x31: {  	[smem:$0x3FB6] =	sst s10  }
0x32: {  	s10 =	sld [smem:$0x3FB4];
	_ =	sdelay $0x3  }
0x33: {  	p0 =	seq.s32 s10, $0x1;
	s10 =	sld [smem:$0x3FB6];
	_ =	sdelay $0x3  }
0x34: {  	[smem:$0x3FB6] =	sst s10  }
0x35: {  	s10 =	sld [smem:$0x3FB5];
	_ =	sdelay $0x3  }
0x36: {  	p1 =	seq.s32 s10, $0x1;
	s10 =	sld [smem:$0x3FB6];
	_ =	sdelay $0x3  }
0x37: {  	[smem:$0x3FB6] =	sst s10  }
0x38: {  	s10 =	sld [smem:$0x3FB7]  }
0x39: {  	_ = 	snop;
	(pc) =	sbr.ind lr, $3  }
0x3a: {  	_ = 	snop  }
0x3b: {  	_ = 	snop  }
0x3c: {  	p2 =	seq.s32 s10, $0x1;
	s10 =	sld [smem:$0x3FB6]  }
0x3d: {  	_ =	shalt  }
0x3e: {  	_ =	shalt  }
0x3f: {  	_ =	shalt  }
0x40: {  	_ =	shalt  }
0x41: {  	_ =	shalt  }
0x42: {  	_ =	shalt  }
0x43: {  	_ =	shalt  }
0x44: {  	_ =	shalt  }
0x45: {  	_ =	shalt  }
0x46: {  	_ =	shalt  }
0x47: {  	_ =	shalt  }
0x48: {  	_ =	shalt  }
0x49: {  	_ =	shalt  }
0x4a: {  	_ =	shalt  }
0x4b: {  	_ =	shalt  }
0x4c: {  	_ =	shalt  }
0x4d: {  	_ =	shalt  }
0x4e: {  	_ =	shalt  }
0x4f: {  	_ =	shalt  }
0x50: {  	_ =	shalt  }
0x51: {  	_ =	shalt  }
0x52: {  	_ =	shalt  }
0x53: {  	_ =	shalt  }
0x54: {  	_ =	shalt  }
0x55: {  	_ =	shalt  }
0x56: {  	_ =	shalt  }
0x57: {  	_ =	shalt  }
0x58: {  	_ =	shalt  }
0x59: {  	_ =	shalt  }
0x5a: {  	_ =	shalt  }
0x5b: {  	_ =	shalt  }
0x5c: {  	_ =	shalt  }
0x5d: {  	_ =	shalt  }
0x5e: {  	_ =	shalt  }
0x5f: {  	_ =	shalt  }
0x60: {  	_ =	shalt  }
0x61: {  	_ =	shalt  }
0x62: {  	_ =	shalt  }
0x63: {  	_ =	shalt  }
0x64: {  	_ =	shalt  }
0x65: {  	_ =	shalt  }
0x66: {  	_ =	shalt  }
0x67: {  	_ =	shalt  }
0x68: {  	_ =	shalt  }
0x69: {  	_ =	shalt  }
0x6a: {  	_ =	shalt  }
0x6b: {  	_ =	shalt  }
0x6c: {  	_ =	shalt  }
0x6d: {  	_ =	shalt  }
0x6e: {  	_ =	shalt  }
0x6f: {  	_ =	shalt  }
0x70: {  	_ =	shalt  }
0x71: {  	_ =	shalt  }
0x72: {  	_ =	shalt  }
0x73: {  	_ =	shalt  }
0x74: {  	_ =	shalt  }
0x75: {  	_ =	shalt  }
0x76: {  	_ =	shalt  }
0x77: {  	_ =	shalt  }
0x78: {  	_ =	shalt  }
0x79: {  	_ =	shalt  }
0x7a: {  	_ =	shalt  }
0x7b: {  	_ =	shalt  }
0x7c: {  	_ =	shalt  }
0x7d: {  	_ =	shalt  }
0x7e: {  	_ =	shalt  }
0x7f: {  	_ =	shalt  }
0x80: {  	_ =	shalt  }
0x81: {  	_ =	shalt  }
0x82: {  	_ =	shalt  }
0x83: {  	_ =	shalt  }
0x84: {  	_ =	shalt  }
0x85: {  	_ =	shalt  }
0x86: {  	_ =	shalt  }
0x87: {  	_ =	shalt  }
.Lfunc_end0:
.L_simem_size_0:
called_computation.1_lowered:
.L_overlay_start_0:
0x88: {  	s2 =	sld [smem:$0x3FD9]  }
0x89: {  	s3 =	sld [smem:$0x3FFE];
	_ =	sdelay $0x1  }
0x8a: {  	s1 =	srdreg.scid  }
0x8b: {  	s0 =	sand.u32 $0x1, s1  }
0x8c: {  	s15 =	sshll.u32 s0, $0xA;
	s2 =	sadd.s32 s3, s2  }
0x8d: {  	s2 =	sadd.s32 s2, s15  }
0x8e: {  	[smem:$0x3FC2] =	sst s2  }
0x8f: {  	_ = 	snop  }
0x90: {  	s2 =	sld [smem:$0x3FD0];
	_ =	sdelay $0x2  }
0x91: {  	s16 =	simm.s32 $0xB;
	s4 =	simm.s32 $0x10  }
0x92: {  	[smem:s4], [sflag:s16] =	dma.local [hbm:s2], $0x1  }
0x93: {  	_ =	swait.eq [sflag:s16], $0x1  }
0x94: {  	[sflag:s16] =	ssyncset.done $0x0  }
0x95: {  	[sflag:s16] =	ssyncadd.s32 $0xFFFFFFFF  }
0x96: {  	s17 =	sld [smem:$0x12];
	(tm) =	ssettm $0x1  }
0x97: {  	s18 =	sld [smem:$0x3FFB];
	_ =	sdelay $0x3  }
0x98: {  	_ =	strace s18  }
0x99: {  	s2 =	sld [smem:$0x3FFC];
	_ =	sdelay $0x3  }
0x9a: {  	_ =	strace s2  }
0x9b: {  	s2 =	sld [smem:$0x3FFD];
	_ =	sdelay $0x3  }
0x9c: {  	_ =	strace s2  }
0x9d: {  	_ =	strace $0x8FFFFFFF  }
0x9e: {  	s19 =	sld [smem:$0x3FDB];
	_ =	sdelay $0x1  }
0x9f: {  	s20 =	simm.s32 $_scs_section_size  }
0xa0: {  	s5 =	simm.s32 $_size__tile_overlayer_lowered;
	s6 =	simm.s32 $_tile_overlayer_lowered  }
0xa1: {  	s7 =	simm.s32 $0x1BFF;
	s21 =	sshll.u32 s6, $0x1;
	s4 =	sadd.s32 s20, s19  }
0xa2: {  	s22 =	simm.s32 $0x0;
	s5 =	sshll.u32 s5, $0x1;
	s6 =	sadd.s32 s21, s4  }
0xa3: {  	[timem:s22], [sflag:s7] =	dma.local [hbm:s6], s5  }
0xa4: {  	_ =	swait.ge [sflag:s7], s5  }
0xa5: {  	s5 =	ssub.s32 $0x0, s5;
	[sflag:s7] =	ssyncset.done $0x0  }
0xa6: {  	[sflag:s7] =	ssyncadd.s32 s5;
	_ =	sdelay $0x1  }
0xa7: {  	s23 =	simm.s32 $0x1B8B  }
0xa8: {  	_ =	swait.ge [sflag:s23], $0x1  }
0xa9: {  	[sflag:s23] =	ssyncset.done $0x0  }
0xaa: {  	[sflag:s23] =	ssyncadd.s32 $0xFFFFFFFF  }
0xab: {  	s5 =	sld [smem:$0x0]  }
0xac: {  	s6 =	sand.u32 $0xFFFFFFFE, s1  }
0xad: {  	p0 =	sne.s32 s1, s6  }
0xae: {  	s6 =	sshll.u32 @p0 s6, $0xE  }
0xaf: {  	s6 =	sadd.s32 @p0 $0x11B8D, s6;
	s7 =	sshll.u32 @p0 s5, $0x11  }
0xb0: {  	s6 =	sor.u32 @p0 s7, s6  }
0xb1: {  	[sflag:s6] =	ssyncadd.remote.s32 @p0 $0x1;
	_ =	sdelay $0x1  }
0xb2: {  	s6 =	simm.s32 @p0 $0x1B8D  }
0xb3: {  	_ =	swait.eq @p0 [sflag:s6], $0x1  }
0xb4: {  	[sflag:s6] =	ssyncadd.s32 @p0 $0xFFFFFFFF  }
0xb5: {  	s7 =	sshll.u32 @!p0 s1, $0xE  }
0xb6: {  	s7 =	sor.u32 @!p0 $0x4000, s7;
	s6 =	simm.s32 @!p0 $0x1B8D  }
0xb7: {  	s5 =	sshll.u32 @!p0 s5, $0x11;
	s7 =	sadd.s32 @!p0 $0x11B8D, s7;
	_ =	swait.eq @!p0 [sflag:s6], $0x1  }
0xb8: {  	s5 =	sor.u32 @!p0 s5, s7;
	[sflag:s6] =	ssyncadd.s32 @!p0 $0xFFFFFFFF  }
0xb9: {  	s25 =	simm.s32 $0x1B8E;
	s24 =	sld [smem:$0x3FFE];
	[sflag:s5] =	ssyncadd.remote.s32 @!p0 $0x1  }
0xba: {  	s26 =	simm.s32 $execute0_lowered;
	[smem:$0x3FD2] =	sst s25  }
0xbb: {  	s6 =	sshll.u32 s26, $0x1;
	_ =	strace $0x80000050;
	[dreg:$0x1] =	wrdreg $0xFFFFFFFF  }
0xbc: {  	s28 =	simm.s32 $_size_execute0_lowered;
	s4 =	sadd.s32 s4, s6;
	[dreg:$0x0] =	wrdreg $0x0  }
0xbd: {  	s6 =	sshll.u32 s28, $0x1;
	[dreg:$0x2] =	wrdreg s4  }
0xbe: {  	[dreg:$0x3] =	wrdreg s6  }
0xbf: {  	[dreg:$0x4] =	wrdreg $0xC0  }
0xc0: {  	_ =	task [dreg:s22], $0x5FFFF  }
0xc1: {  	[dreg:$0x1] =	wrdreg $0xFFFFFFFF  }
0xc2: {  	[dreg:$0x0] =	wrdreg $0x60  }
0xc3: {  	[dreg:$0x2] =	wrdreg s24  }
0xc4: {  	[dreg:$0x3] =	wrdreg s17  }
0xc5: {  	[dreg:$0x4] =	wrdreg $0x9  }
0xc6: {  	_ =	task.clear_ibuf [dreg:s22], $0x5FFFF;
	_ =	strace $0x90000050  }
0xc7: {  	s29 =	simm.s32 $0x9;
	_ =	strace $0x8000005D  }
0xc8: {  	_ =	swait.ge [sflag:s29], $0x1  }
0xc9: {  	[sflag:s29] =	ssyncadd.s32 $0xFFFFFFFF  }
0xca: {  	_ =	strace $0x9000005D  }
0xcb: {  	_ =	sfence  }
0xcc: {  	s30 =	sld [smem:$0x0];
	_ =	sdelay $0x2  }
0xcd: {  	s31 =	sshll.u32 s1, $0xD;
	s1 =	sshrl.u32 s1, $0x2  }
0xce: {  	s4 =	sand.u32 $0x4000, s31;
	s1 =	sadd.s32 s1, s30  }
0xcf: {  	s0 =	sor.u32 s4, s0;
	s1 =	sshll.u32 s1, $0x11  }
0xd0: {  	s0 =	sor.u32 s1, s0  }
0xd1: {  	s0 =	sadd.s32 $0x8F2B, s0  }
0xd2: {  	[sflag:s0] =	ssyncadd.remote.s32 $0x1  }
0xd3: {  	_ =	sfence.sel $0xFFFF  }
0xd4: {  	[dreg:$0x0] =	wrdreg $0xFFFFFFFF;
	(pc) =	sbr.abs _section_cstart, $3  }
0xd5: {  	[dreg:$0x1] =	wrdreg $0xFFFFFFFF  }
0xd6: {  	_ =	task.clear_ibuf [dreg:s22], $0x2FFFF;
	_ =	strace $0x9FFFFFFF  }
0xd7: {  	(tm) =	ssettm $0x7FFFFFFF  }
tec
execute0_lowered:
.L_overlay_start_1:
0x0: {  	(tag) =	ssettag $0x1  }
0x1: {  	s0 =	rddreg [dreg:$0x0]  }
0x2: {  	s1 =	rddreg [dreg:$0x1]  }
0x3: {  	s2 =	simm.s32 $0x0;
	s3 =	srdreg.scid;
	s7 =	stileid.u32  }
0x4: {  	s14 =	simm.s32 $0x80;
	s15 =	simm.s32 $0x9;
	s16 =	simm.s32 $0x0  }
0x5: {  	[smem:$0x7FF] =	sst s2;
	s3 =	sand.u32 $0x1, s3;
	s4 =	sadd.s32 $0x321C00, s0  }
0x6: {  	s5 =	sadd.s32 $0x322C00, s0;
	s8 =	sadd.s32 $0x330400, s0;
	s6 =	sshll.u32 s3, $0x4  }
0x7: {  	_ =	strace $0x80000051;
	s3 =	ssub.s32 $0x2, s3;
	s9 =	sor.u32 s7, s6  }
0x8: {  	s6 =	sadd.s32 $0x323C00, s0;
	s31 =	sshrl.u32 s3, $0x1;
	s11 =	smul.u32 $0x320, s9  }
0x9: {  	s7 =	sadd.s32 $0x32A000, s0;
	s0 =	ssub.s32 s3, s31;
	s9 =	smul.u32 $0x32, s9  }
0xa: {  	s12 =	smax.u32 s0, $0x1;
	s10 =	sadd.s32 s6, s11;
	s11 =	sadd.s32 s7, s11  }
.LBB2_1:
0xb: {  	_ =	strace $0x80000052  }
0xc: {  	s0 =	simm.s32 $0x100;
	s26 =	simm.s32 $0x1;
	s18 =	simm.s32 $0x32  }
0xd: {  	s28 =	simm.s32 $0x0;
	s17 =	simm.s32 $0x0;
	s19 =	simm.s32 $0x0  }
0xe: {  	[tilespmem:s2], [sflag:$0x1] =	stream.linear.gather [hbm4b:s10+s2], $0x80, $0x200038;
	[tilespmem:$0x4200] =	vst v63  }
0xf: {  	s24 =	simm.s32 $0x0;
	s20 =	simm.s32 $0x0;
	s21 =	simm.s32 $0x0  }
0x10: {  	[tilespmem:s0], [sflag:$0x3] =	stream.linear.gather [hbm4b:s11+s2], $0x80, $0x200038;
	[tilespmem:$0x4200] =	vst v63  }
0x11: {  	s22 =	simm.s32 $0x1;
	s23 =	simm.s32 $0x0;
	_ =	strace $0x90000052  }
.LBB2_2:
0x12: {  	s25 =	sadd.s32 $0x1, s28  }
0x13: {  	p0 =	seq.s32 s25, $0x32  }
0x14: {  	s25 =	simm.s32 @p0 $0x0;
	p0 =	seq.s32 s18, $0x1  }
0x15: {  	p1 =	seq.s32 @!p0 s28, s25  }
0x16: {  	p2 =	por p1, p0  }
0x17: {  	s0 =	sadd.s32 @!p2 s9, s25  }
0x18: {  	s3 =	sand.u32 @!p2 $0x1, s26;
	s0 =	sshll.u32 @!p2 s0, $0x4  }
0x19: {  	_ =	strace @!p2 $0x80000053;
	s31 =	simm.s32 @!p2 $0x0;
	s0 =	sand.u32 @!p2 $0x1FFFFFF0, s0  }
0x1a: {  	s29 =	sshll.u32 @!p2 s3, $0x7;
	s3 =	sadd.s32 @!p2 $0x1, s3;
	s30 =	sadd.s32 @!p2 s6, s0  }
0x1b: {  	[tilespmem:s29], [sflag:s3] =	stream.linear.gather @!p2 [hbm4b:s30+s31], $0x80, $0x200038;
	[tilespmem:$0x4200] =	vst v63  }
0x1c: {  	s3 =	sand.u32 @!p2 $0x1, s22  }
0x1d: {  	s0 =	sadd.s32 @!p2 s7, s0;
	_ =	strace @!p2 $0x90000053;
	s29 =	sshll.u32 @!p2 s3, $0x7  }
0x1e: {  	s3 =	sadd.s32 @!p2 $0x3, s3;
	_ =	strace @!p2 $0x80000054;
	s29 =	sor.u32 @!p2 $0x100, s29  }
0x1f: {  	[tilespmem:s29], [sflag:s3] =	stream.linear.gather @!p2 [hbm4b:s0+s31], $0x80, $0x200038;
	[tilespmem:$0x4200] =	vst v63  }
0x20: {  	s3 =	sand.u32 $0x1, s23;
	_ =	strace @!p2 $0x90000054  }
0x21: {  	s0 =	sadd.s32 $0x1, s3;
	_ =	strace $0x80000055  }
0x22: {  	_ =	swait.ge [sflag:s0], $0x80  }
0x23: {  	[sflag:s0] =	ssyncset.done $0x0  }
0x24: {  	[sflag:s0] =	ssyncadd.s32 $0xFFFFFF80  }
0x25: {  	s13 =	sand.u32 $0x1, s21;
	_ =	strace $0x90000055  }
0x26: {  	s0 =	sadd.s32 $0x3, s13;
	_ =	strace $0x80000056  }
0x27: {  	_ =	swait.ge [sflag:s0], $0x80  }
0x28: {  	[sflag:s0] =	ssyncset.done $0x0  }
0x29: {  	s30 =	sand.u32 $0x1, s20;
	[sflag:s0] =	ssyncadd.s32 $0xFFFFFF80  }
0x2a: {  	s29 =	sshll.u32 s30, $0xC;
	s31 =	sshll.u32 s23, $0x7;
	_ =	strace $0x90000056  }
0x2b: {  	s3 =	sand.u32 $0x80, s31;
	s0 =	sor.u32 $0x200, s29;
	_ =	strace $0x80000057  }
0x2c: {  	[tilespmem:s0], [sflag:$0x9] =	stream.indirect.gather [hbm4b:s4+s14], $0x20, s3, s14, $0x2000b8;
	[tilespmem:$0x4200] =	vst v63  }
0x2d: {  	s31 =	sand.u32 $0x1, s19;
	s13 =	sshll.u32 s21, $0x7;
	_ =	swait.ge [sflag:s15], $0x1000  }
0x2e: {  	s13 =	sand.u32 $0x80, s13;
	s29 =	sshll.u32 s31, $0xC;
	[sflag:s15] =	ssyncset.done $0x0  }
0x2f: {  	s13 =	sor.u32 $0x100, s13;
	s3 =	sor.u32 $0x2200, s29;
	[sflag:s15] =	ssyncadd.s32 $0xFFFFF000  }
0x30: {  	[tilespmem:s3], [sflag:$0x9] =	stream.indirect.gather [hbm4b:s5+s14], $0x20, s13, s14, $0x2000b8;
	[tilespmem:$0x4200] =	vst v63  }
0x31: {  	p3 =	por p0, !p1;
	_ =	swait.ge [sflag:s15], $0x1000  }
0x32: {  	s13 =	sadd.s32 @p3 s9, s28;
	[sflag:s15] =	ssyncset.done $0x0  }
0x33: {  	s13 =	sshll.u32 @p3 s13, $0x9;
	[sflag:s15] =	ssyncadd.s32 $0xFFFFF000  }
0x34: {  	s29 =	simm.s32 $0x0;
	s13 =	sand.u32 @p3 $0x1FFFFE00, s13;
	_ =	strace $0x90000057  }
0x35: {  	s28 =	sadd.s32 @p3 $0x5, s30;
	s29 =	sadd.s32 @p3 s1, s13;
	_ =	strace @p3 $0x80000058  }
0x36: {  	[hbm4b:s29+s2] =	stream.linear.scatter @p3 [tilespmem:s0], [sflag:s28], $0x1000, $0x200038;
	[tilespmem:$0x4200] =	vst v63  }
0x37: {  	p1 =	por !p1, p0;
	s20 =	sadd.s32 @p3 $0x1, s20;
	_ =	strace @p3 $0x90000058  }
0x38: {  	s13 =	sadd.s32 @p3 s8, s13;
	s0 =	sadd.s32 @p3 $0x7, s31;
	_ =	strace @p3 $0x80000059  }
0x39: {  	[hbm4b:s13+s2] =	stream.linear.scatter @p3 [tilespmem:s3], [sflag:s0], $0x1000, $0x200038;
	[tilespmem:$0x4200] =	vst v63  }
0x3a: {  	s29 =	simm.s32 @p3 $0x1;
	_ =	strace @p3 $0x90000059;
	p3 =	seq.s32 s18, $0x32  }
0x3b: {  	s30 =	smov.u32 s26;
	s28 =	smov.u32 s25;
	s0 =	sand.u32 @!p3 $0x1, s24  }
0x3c: {  	s19 =	sadd.s32 s19, s29;
	_ =	strace @!p3 $0x8000005A;
	s0 =	sadd.s32 @!p3 $0x5, s0  }
0x3d: {  	s23 =	sadd.s32 s23, s29;
	s3 =	sadd.s32 @!p2 $0x1, s26;
	_ =	swait.ge @!p3 [sflag:s0], $0x1000  }
0x3e: {  	s30 =	smov.u32 @p1 s3;
	s18 =	sadd.s32 $0xFFFFFFFF, s18;
	[sflag:s0] =	ssyncset.done @!p3 $0x0  }
0x3f: {  	s13 =	sand.u32 @!p3 $0x1, s17;
	[sflag:s0] =	ssyncadd.s32 @!p3 $0xFFFFF000;
	s0 =	simm.s32 $0x0  }
0x40: {  	s30 =	smov.u32 @p0 s26;
	s3 =	simm.s32 @!p3 $0x1;
	s0 =	simm.s32 @p1 $0x1  }
0x41: {  	_ =	strace @!p3 $0x9000005A;
	s0 =	simm.s32 @p0 $0x0;
	p0 =	sne.s32 s18, $0x0  }
.Ltmp0:
0x42: {  	s13 =	sadd.s32 @!p3 $0x7, s13;
	_ =	strace @!p3 $0x8000005B;
	(pc) =	sbr.rel @p0 .LBB2_2-.Ltmp0, $4  }
0x43: {  	s21 =	sadd.s32 s21, s29;
	s3 =	simm.s32 @p3 $0x0;
	_ =	swait.ge @!p3 [sflag:s13], $0x1000  }
0x44: {  	s22 =	sadd.s32 s22, s0;
	s0 =	sadd.s32 @!p3 $0x1, s24;
	[sflag:s13] =	ssyncset.done @!p3 $0x0  }
0x45: {  	s26 =	smov.u32 s30;
	s0 =	smov.u32 @p3 s24;
	[sflag:s13] =	ssyncadd.s32 @!p3 $0xFFFFF000  }
0x46: {  	s17 =	sadd.s32 s17, s3;
	s24 =	smov.u32 s0;
	_ =	strace @!p3 $0x9000005B  }
0x47: {  	s0 =	sand.u32 $0x1, s0  }
0x48: {  	_ =	strace $0x8000005C;
	s0 =	sadd.s32 $0x5, s0  }
0x49: {  	s16 =	sadd.s32 $0x1, s16;
	_ =	swait.ge [sflag:s0], $0x1000  }
0x4a: {  	s3 =	sand.u32 $0x1, s17;
	p0 =	sne.s32 s16, s12;
	[sflag:s0] =	ssyncset.done $0x0  }
.Ltmp1:
0x4b: {  	s31 =	sadd.s32 $0x7, s3;
	[sflag:s0] =	ssyncadd.s32 $0xFFFFF000;
	(pc) =	sbr.rel @p0 .LBB2_1-.Ltmp1, $4  }
0x4c: {  	_ =	swait.ge [sflag:s31], $0x1000  }
0x4d: {  	[sflag:s31] =	ssyncset.done $0x0  }
0x4e: {  	[sflag:s31] =	ssyncadd.s32 $0xFFFFF000  }
0x4f: {  	_ =	strace $0x9000005C  }
0x50: {  	_ =	sfence.sel $0x180000  }
0x51: {  	[bflag:$0x0] =	sbarrier.arrive $0xFFFF  }
0x52: {  	_ =	strace $0x90000051  }
0x53: {  	s0 =	stileid.u32;
	[bflag:$0x2] =	sbarrier.arrive $0xFFFF  }
0x54: {  	p0 =	sne.s32 s0, $0x0;
	s0 =	rddreg [dreg:$0x2]  }
0x55: {  	s0 =	sadd.s32 @!p0 $0x100000, s0  }
0x56: {  	[sflag:s0] =	ssyncadd.tile.s32 @!p0 $0x1;
	_ =	shalt  }
.Lfunc_end2:
_tile_overlayer_lowered:
.L_overlay_start_2:
0x57: {  	(tag) =	ssettag $0x2  }
0x58: {  	s0 =	rddreg [dreg:$0x0];
	s2 =	stileid.u32  }
0x59: {  	s1 =	rddreg [dreg:$0x1];
	p0 =	sne.s32 s2, $0x0  }
0x5a: {  	s3 =	rddreg [dreg:$0x2];
	[bflag:$0x3] =	sbarrier.arrive $0xFFFF;
	s2 =	simm.s32 @!p0 $0x1C01  }
0x5b: {  	[timem:s3], [sflag:s2] =	dma.local @!p0 [hbm:s0], s1  }
0x5c: {  	s0 =	simm.s32 @!p0 $0x1  }
0x5d: {  	_ =	swait.ge @!p0 [sflag:s0], s1  }
0x5e: {  	s1 =	ssub.s32 @!p0 $0x0, s1;
	[sflag:s0] =	ssyncset.done @!p0 $0x0  }
0x5f: {  	[sflag:s0] =	ssyncadd.s32 @!p0 s1  }
0x60: {  	[bflag:$0x3] =	sbarrier.arrive $0xFFFF  }
0x61: {  	_ =	shalt  }

// kernel: kernel.7.cloned.1.call-start
scs
__scs_entry_jumppad:
0x0: {  	(pc) =	sbr.rel $0x88, $3  }
0x1: {  	(tag) =	ssettag $0x0;
	lr =	simm.s32 $0x1  }
0x2: {  	[smem:$0x3F9B] =	sst lr;
	_ =	strace $0xD0000000  }
0x3: {  	_ = 	snop  }
0x4: {  	_ = 	snop  }
0x5: {  	_ = 	snop  }
0x6: {  	_ = 	snop  }
0x7: {  	_ = 	snop  }
__scs_overlays_trampoline_lowered:
0x8: {  	[smem:$0x3FAA] =	sst s0  }
0x9: {  	[smem:$0x3FAB] =	sst s1  }
0xa: {  	[smem:$0x3FAC] =	sst s2  }
0xb: {  	[smem:$0x3FAD] =	sst s3  }
0xc: {  	[smem:$0x3FAE] =	sst s4  }
0xd: {  	[smem:$0x3FAF] =	sst s5  }
0xe: {  	[smem:$0x3FB0] =	sst s6  }
0xf: {  	[smem:$0x3FB1] =	sst s7  }
0x10: {  	[smem:$0x3FB2] =	sst s8  }
0x11: {  	[smem:$0x3FB3] =	sst s9;
	s0 =	simm.s32 @!p0 $0x0  }
0x12: {  	s1 =	sld [smem:$0x3F99];
	s0 =	simm.s32 @p0 $0x1  }
0x13: {  	[smem:$0x3FB4] =	sst s0;
	s0 =	simm.s32 @!p1 $0x0  }
0x14: {  	s2 =	sld [smem:$0x3F98];
	s0 =	simm.s32 @p1 $0x1  }
0x15: {  	[smem:$0x3FB5] =	sst s0;
	s0 =	simm.s32 @!p2 $0x0  }
0x16: {  	s3 =	sld [smem:$0x3FDB];
	s0 =	simm.s32 @p2 $0x1  }
0x17: {  	s4 =	simm.s32 $0x1BF5;
	[smem:$0x3FB7] =	sst s0  }
0x18: {  	s0 =	sld [smem:$0x3F9A];
	_ =	swait.ge [sflag:s4], $0x0  }
0x19: {  	s7 =	sld [smem:$0x3F9B]  }
0x1a: {  	s8 =	sadd.s32 $0xFFFFE003, lr  }
0x1b: {  	s9 =	sadd.s32 $0xFFFFFEF7, lr;
	s5 =	simm.s32 $0xFFFFFFFF;
	p2 =	slt.u32 s8, $0xFFFFF086  }
0x1c: {  	p1 =	slt.u32 s9, $0xF7A;
	s5 =	simm.s32 @!p2 $0x0  }
0x1d: {  	s5 =	simm.s32 @p1 $0x1;
	p0 =	seq.s32 s7, s2  }
0x1e: {  	s7 =	smul.u32 @!p0 $0xF7A, s2;
	p2 =	seq.s32 @!p0 s5, $0x0  }
0x1f: {  	s9 =	smul.u32 $0xF7A, s1;
	s8 =	simm.s32 @!p0 $0x1BF5;
	p2 =	por !p2, p0  }
0x20: {  	[sflag:s8] =	ssyncset.s32 @!p0 $0xFFFFF086;
	s6 =	sadd.s32 @!p0 s3, s7;
	s7 =	simm.s32 @!p0 $0x108  }
0x21: {  	s3 =	sadd.s32 s3, s9;
	s6 =	sadd.s32 @!p0 $0x88, s6;
	s7 =	simm.s32 @p2 $0x1082  }
0x22: {  	[simem:s7], [sflag:s8] =	dma.local @!p0 [hbm:s6], $0xF7A  }
0x23: {  	s9 =	sor.u32 $0xD0000000, s2;
	s6 =	simm.s32 $0x108;
	_ =	swait.ge @!p0 [sflag:s8], $0x0  }
0x24: {  	s3 =	sadd.s32 $0x88, s3;
	s6 =	simm.s32 @!p1 $0x1082;
	[sflag:s4] =	ssyncset.s32 $0xFFFFF086  }
0x25: {  	[simem:s6], [sflag:s4] =	dma.local [hbm:s3], $0xF7A  }
0x26: {  	[smem:$0x3F9B] =	sst s1;
	(tag) =	ssettag s2;
	_ =	strace s9  }
0x27: {  	s1 =	sld [smem:$0x3FAB]  }
0x28: {  	s2 =	sld [smem:$0x3FAC]  }
0x29: {  	s4 =	sld [smem:$0x3FAE]  }
0x2a: {  	p0 =	seq.s32 s5, $0x0;
	s5 =	sld [smem:$0x3FAF]  }
0x2b: {  	s6 =	sld [smem:$0x3FB0]  }
0x2c: {  	s7 =	sld [smem:$0x3FB1]  }
0x2d: {  	s3 =	simm.s32 $0x108;
	s8 =	sld [smem:$0x3FB2]  }
0x2e: {  	s3 =	simm.s32 @!p0 $0x1082;
	s9 =	sld [smem:$0x3FB3]  }
0x2f: {  	lr =	sadd.s32 s0, s3;
	s0 =	sld [smem:$0x3FAA]  }
0x30: {  	s3 =	sld [smem:$0x3FAD]  }
0x31: {  	[smem:$0x3FB6] =	sst s10  }
0x32: {  	s10 =	sld [smem:$0x3FB4];
	_ =	sdelay $0x3  }
0x33: {  	p0 =	seq.s32 s10, $0x1;
	s10 =	sld [smem:$0x3FB6];
	_ =	sdelay $0x3  }
0x34: {  	[smem:$0x3FB6] =	sst s10  }
0x35: {  	s10 =	sld [smem:$0x3FB5];
	_ =	sdelay $0x3  }
0x36: {  	p1 =	seq.s32 s10, $0x1;
	s10 =	sld [smem:$0x3FB6];
	_ =	sdelay $0x3  }
0x37: {  	[smem:$0x3FB6] =	sst s10  }
0x38: {  	s10 =	sld [smem:$0x3FB7]  }
0x39: {  	_ = 	snop;
	(pc) =	sbr.ind lr, $3  }
0x3a: {  	_ = 	snop  }
0x3b: {  	_ = 	snop  }
0x3c: {  	p2 =	seq.s32 s10, $0x1;
	s10 =	sld [smem:$0x3FB6]  }
0x3d: {  	_ =	shalt  }
0x3e: {  	_ =	shalt  }
0x3f: {  	_ =	shalt  }
0x40: {  	_ =	shalt  }
0x41: {  	_ =	shalt  }
0x42: {  	_ =	shalt  }
0x43: {  	_ =	shalt  }
0x44: {  	_ =	shalt  }
0x45: {  	_ =	shalt  }
0x46: {  	_ =	shalt  }
0x47: {  	_ =	shalt  }
0x48: {  	_ =	shalt  }
0x49: {  	_ =	shalt  }
0x4a: {  	_ =	shalt  }
0x4b: {  	_ =	shalt  }
0x4c: {  	_ =	shalt  }
0x4d: {  	_ =	shalt  }
0x4e: {  	_ =	shalt  }
0x4f: {  	_ =	shalt  }
0x50: {  	_ =	shalt  }
0x51: {  	_ =	shalt  }
0x52: {  	_ =	shalt  }
0x53: {  	_ =	shalt  }
0x54: {  	_ =	shalt  }
0x55: {  	_ =	shalt  }
0x56: {  	_ =	shalt  }
0x57: {  	_ =	shalt  }
0x58: {  	_ =	shalt  }
0x59: {  	_ =	shalt  }
0x5a: {  	_ =	shalt  }
0x5b: {  	_ =	shalt  }
0x5c: {  	_ =	shalt  }
0x5d: {  	_ =	shalt  }
0x5e: {  	_ =	shalt  }
0x5f: {  	_ =	shalt  }
0x60: {  	_ =	shalt  }
0x61: {  	_ =	shalt  }
0x62: {  	_ =	shalt  }
0x63: {  	_ =	shalt  }
0x64: {  	_ =	shalt  }
0x65: {  	_ =	shalt  }
0x66: {  	_ =	shalt  }
0x67: {  	_ =	shalt  }
0x68: {  	_ =	shalt  }
0x69: {  	_ =	shalt  }
0x6a: {  	_ =	shalt  }
0x6b: {  	_ =	shalt  }
0x6c: {  	_ =	shalt  }
0x6d: {  	_ =	shalt  }
0x6e: {  	_ =	shalt  }
0x6f: {  	_ =	shalt  }
0x70: {  	_ =	shalt  }
0x71: {  	_ =	shalt  }
0x72: {  	_ =	shalt  }
0x73: {  	_ =	shalt  }
0x74: {  	_ =	shalt  }
0x75: {  	_ =	shalt  }
0x76: {  	_ =	shalt  }
0x77: {  	_ =	shalt  }
0x78: {  	_ =	shalt  }
0x79: {  	_ =	shalt  }
0x7a: {  	_ =	shalt  }
0x7b: {  	_ =	shalt  }
0x7c: {  	_ =	shalt  }
0x7d: {  	_ =	shalt  }
0x7e: {  	_ =	shalt  }
0x7f: {  	_ =	shalt  }
0x80: {  	_ =	shalt  }
0x81: {  	_ =	shalt  }
0x82: {  	_ =	shalt  }
0x83: {  	_ =	shalt  }
0x84: {  	_ =	shalt  }
0x85: {  	_ =	shalt  }
0x86: {  	_ =	shalt  }
0x87: {  	_ =	shalt  }
.Lfunc_end0:
.L_simem_size_0:
called_computation.2_lowered:
.L_overlay_start_0:
0x88: {  	s2 =	sld [smem:$0x3FD9]  }
0x89: {  	s3 =	sld [smem:$0x3FFE];
	_ =	sdelay $0x1  }
0x8a: {  	s1 =	srdreg.scid  }
0x8b: {  	s0 =	sand.u32 $0x1, s1  }
0x8c: {  	s14 =	sshll.u32 s0, $0xA;
	s2 =	sadd.s32 s3, s2  }
0x8d: {  	s2 =	sadd.s32 s2, s14  }
0x8e: {  	[smem:$0x3FC2] =	sst s2  }
0x8f: {  	_ = 	snop  }
0x90: {  	s2 =	sld [smem:$0x3FD0];
	_ =	sdelay $0x2  }
0x91: {  	s15 =	simm.s32 $0xB;
	s4 =	simm.s32 $0x10  }
0x92: {  	[smem:s4], [sflag:s15] =	dma.local [hbm:s2], $0x1  }
0x93: {  	_ =	swait.eq [sflag:s15], $0x1  }
0x94: {  	[sflag:s15] =	ssyncset.done $0x0  }
0x95: {  	[sflag:s15] =	ssyncadd.s32 $0xFFFFFFFF  }
0x96: {  	s16 =	sld [smem:$0x11];
	(tm) =	ssettm $0x1  }
0x97: {  	s17 =	sld [smem:$0x3FFB];
	_ =	sdelay $0x3  }
0x98: {  	_ =	strace s17  }
0x99: {  	s3 =	sld [smem:$0x3FFC];
	_ =	sdelay $0x3  }
0x9a: {  	_ =	strace s3  }
0x9b: {  	s3 =	sld [smem:$0x3FFD];
	_ =	sdelay $0x3  }
0x9c: {  	_ =	strace s3  }
0x9d: {  	_ =	strace $0x8FFFFFFF  }
0x9e: {  	s18 =	sld [smem:$0x3FDB];
	_ =	sdelay $0x1  }
0x9f: {  	s19 =	simm.s32 $_scs_section_size  }
0xa0: {  	s5 =	simm.s32 $_size__tile_overlayer_lowered;
	s6 =	simm.s32 $_tile_overlayer_lowered  }
0xa1: {  	s22 =	simm.s32 $0x1BFF;
	s21 =	sshll.u32 s6, $0x1;
	s3 =	sadd.s32 s19, s18  }
0xa2: {  	s7 =	simm.s32 $0x0;
	s20 =	sshll.u32 s5, $0x1;
	s5 =	sadd.s32 s21, s3  }
0xa3: {  	[timem:s7], [sflag:s22] =	dma.local [hbm:s5], s20  }
0xa4: {  	_ =	swait.ge [sflag:s22], s20  }
0xa5: {  	s4 =	ssub.s32 $0x0, s20;
	[sflag:s22] =	ssyncset.done $0x0  }
0xa6: {  	[sflag:s22] =	ssyncadd.s32 s4;
	_ =	sdelay $0x1  }
0xa7: {  	s23 =	simm.s32 $0x1B8B  }
0xa8: {  	_ =	swait.ge [sflag:s23], $0x1  }
0xa9: {  	[sflag:s23] =	ssyncset.done $0x0  }
0xaa: {  	s25 =	simm.s32 $0x1B8E;
	s24 =	sld [smem:$0x3FFE];
	[sflag:s23] =	ssyncadd.s32 $0xFFFFFFFF  }
0xab: {  	s26 =	simm.s32 $execute0_lowered;
	[smem:$0x3FD2] =	sst s25  }
0xac: {  	s5 =	sshll.u32 s26, $0x1;
	_ =	strace $0x80000046;
	[dreg:$0x1] =	wrdreg $0xFFFFFFFF  }
0xad: {  	s28 =	simm.s32 $_size_execute0_lowered;
	s3 =	sadd.s32 s3, s5;
	[dreg:$0x0] =	wrdreg $0x0  }
0xae: {  	s5 =	sshll.u32 s28, $0x1;
	[dreg:$0x2] =	wrdreg s3  }
0xaf: {  	[dreg:$0x3] =	wrdreg s5  }
0xb0: {  	[dreg:$0x4] =	wrdreg $0xC0  }
0xb1: {  	_ =	task [dreg:s7], $0x5FFFF  }
0xb2: {  	[dreg:$0x1] =	wrdreg $0xFFFFFFFF  }
0xb3: {  	[dreg:$0x0] =	wrdreg $0x60  }
0xb4: {  	[dreg:$0x2] =	wrdreg s24  }
0xb5: {  	[dreg:$0x3] =	wrdreg s16  }
0xb6: {  	[dreg:$0x4] =	wrdreg $0xA  }
0xb7: {  	_ =	task.clear_ibuf [dreg:s7], $0x5FFFF;
	_ =	strace $0x90000046  }
0xb8: {  	s29 =	simm.s32 $0xA;
	_ =	strace $0x8000004F  }
0xb9: {  	_ =	swait.ge [sflag:s29], $0x1  }
0xba: {  	[sflag:s29] =	ssyncadd.s32 $0xFFFFFFFF  }
0xbb: {  	_ =	strace $0x9000004F  }
0xbc: {  	_ =	sfence  }
0xbd: {  	s30 =	sld [smem:$0x0];
	_ =	sdelay $0x2  }
0xbe: {  	s31 =	sshll.u32 s1, $0xD;
	s1 =	sshrl.u32 s1, $0x2  }
0xbf: {  	s3 =	sand.u32 $0x4000, s31;
	s1 =	sadd.s32 s1, s30  }
0xc0: {  	s0 =	sor.u32 s3, s0;
	s1 =	sshll.u32 s1, $0x11  }
0xc1: {  	s0 =	sor.u32 s1, s0  }
0xc2: {  	s0 =	sadd.s32 $0x8F2B, s0  }
0xc3: {  	[sflag:s0] =	ssyncadd.remote.s32 $0x1  }
0xc4: {  	_ =	sfence.sel $0xFFFF  }
0xc5: {  	[dreg:$0x0] =	wrdreg $0xFFFFFFFF;
	(pc) =	sbr.abs _section_cstart, $3  }
0xc6: {  	[dreg:$0x1] =	wrdreg $0xFFFFFFFF  }
0xc7: {  	_ =	task.clear_ibuf [dreg:s7], $0x2FFFF;
	_ =	strace $0x9FFFFFFF  }
0xc8: {  	(tm) =	ssettm $0x7FFFFFFF  }
0xc9: {  	_ =	shalt  }
tec
execute0_lowered:
.L_overlay_start_1:
0x0: {  	(tag) =	ssettag $0x1  }
0x1: {  	s4 =	rddreg [dreg:$0x0]  }
0x2: {  	s1 =	rddreg [dreg:$0x1]  }
0x3: {  	s0 =	rddreg [dreg:$0x2];
	s2 =	simm.s32 $0x0  }
0x4: {  	s3 =	srdreg.scid;
	s31 =	simm.s32 $0x80;
	s9 =	simm.s32 $0x4  }
0x5: {  	s10 =	simm.s32 $0x0;
	[smem:$0x7FF] =	sst s2;
	s5 =	sand.u32 $0x1, s3  }
0x6: {  	s6 =	sadd.s32 $0xF44000, s4;
	s3 =	stileid.u32;
	s4 =	sadd.s32 $0x1C00, s4  }
0x7: {  	_ =	strace $0x80000047;
	s7 =	sshll.u32 s5, $0x4;
	s5 =	ssub.s32 $0x2, s5  }
0x8: {  	[dreg:$0x3] =	wrdreg s6;
	s29 =	sor.u32 s3, s7;
	s30 =	sshrl.u32 s5, $0x1  }
0x9: {  	[dreg:$0x5] =	wrdreg s4;
	s8 =	smul.u32 $0x320, s29;
	s7 =	ssub.s32 s5, s30  }
0xa: {  	[dreg:$0x4] =	wrdreg s31;
	s4 =	smul.u32 $0x32, s29;
	s6 =	smax.u32 s7, $0x1  }
0xb: {  	s7 =	simm.s32 $0x1;
	s5 =	sadd.s32 s1, s8;
	s8 =	simm.s32 $0x5  }
.LBB2_1:
0xc: {  	_ =	strace $0x80000048;
	s11 =	simm.s32 $0x1;
	p0 =	por $0x0, $0x0  }
0xd: {  	[tilespmem:s2], [sflag:$0x1] =	stream.linear.gather [hbm4b:s5+s2], $0x80, $0x200038;
	[tilespmem:$0x8100] =	vst v63  }
0xe: {  	s11 =	simm.s32 @p0 $0x0  }
0xf: {  	p4 =	por $0x1, $0x1;
	s20 =	sand.u32 $0x1, s2;
	p1 =	sne.s32 s11, $0x0  }
0x10: {  	p2 =	por $0x1, $0x1;
	s18 =	simm.s32 $0x30;
	p0 =	por !p4, !p1  }
0x11: {  	s16 =	simm.s32 $0x0;
	p5 =	por $0x0, $0x0;
	p0 =	por !p0, !p0  }
0x12: {  	s23 =	sadd.s32 $0x0, s4;
	s30 =	sadd.s32 $0x1, s20;
	s12 =	sadd.s32 @p0 s4, s11  }
0x13: {  	_ =	strace $0x90000048;
	s13 =	sand.u32 @p0 $0x1, s7;
	s12 =	sshll.u32 @p0 s12, $0x4  }
0x14: {  	_ =	strace @p0 $0x80000049;
	s15 =	simm.s32 @p0 $0x0;
	s12 =	sand.u32 @p0 $0x1FFFFFF0, s12  }
0x15: {  	s14 =	sshll.u32 @p0 s13, $0x7;
	s13 =	sadd.s32 @p0 $0x1, s13;
	s12 =	sadd.s32 @p0 s1, s12  }
0x16: {  	[tilespmem:s14], [sflag:s13] =	stream.linear.gather @p0 [hbm4b:s12+s15], $0x80, $0x200038;
	[tilespmem:$0x8100] =	vst v63  }
0x17: {  	p3 =	por p2, p2;
	s21 =	sshll.u32 s20, $0xE;
	_ =	strace @p0 $0x90000049  }
0x18: {  	s16 =	sand.u32 $0x80, s16;
	p2 =	por p5, p5;
	_ =	strace $0x8000004A  }
0x19: {  	s17 =	sadd.s32 $0x1, s11;
	s22 =	sor.u32 $0x100, s21;
	_ =	swait.ge [sflag:s30], $0x80  }
0x1a: {  	s21 =	simm.s32 $0x1;
	p6 =	por p1, p1;
	[sflag:s30] =	ssyncset.done $0x0  }
0x1b: {  	p1 =	por p3, p3;
	p4 =	por $0x1, $0x1;
	[sflag:s30] =	ssyncadd.s32 $0xFFFFFF80  }
0x1c: {  	s12 =	simm.s32 $0x31;
	s15 =	sand.u32 @!p3 $0x1, s2;
	_ =	strace $0x9000004A  }
0x1d: {  	s13 =	simm.s32 $0x1;
	p3 =	seq.s32 s17, $0x32;
	_ =	strace $0x8000004B  }
0x1e: {  	s13 =	simm.s32 @!p0 $0x0;
	s17 =	simm.s32 @p3 $0x0;
	s19 =	rddreg [dreg:$0x4]  }
0x1f: {  	p0 =	por $0x0, $0x0;
	s14 =	sadd.s32 $0x1, s13;
	s31 =	rddreg [dreg:$0x3]  }
0x20: {  	[tilespmem:s22], [sflag:$0x5] =	stream.indirect.gather [hbm4b:s31+s19], $0x80, s16, s19, $0x2000b8;
	[tilespmem:$0x8100] =	vst v63  }
0x21: {  	p3 =	sne.s32 s11, s17;
	s21 =	simm.s32 @!p0 $0x0;
	_ =	swait.ge [sflag:s8], $0x4000  }
0x22: {  	p5 =	por !p4, !p3;
	p4 =	por $0x0, $0x0;
	[sflag:s8] =	ssyncset.done $0x0  }
0x23: {  	s13 =	simm.s32 $0x0;
	p6 =	por p4, p6;
	[sflag:s8] =	ssyncadd.s32 $0xFFFFC000  }
0x24: {  	s16 =	simm.s32 $0x0;
	s19 =	simm.s32 $0x0;
	_ =	strace $0x9000004B  }
.LBB2_2:
0x25: {  	_ =	strace @p6 $0x8000004C;
	s13 =	sadd.s32 s21, s13;
	s21 =	smov.u32 s12  }
0x26: {  	s12 =	smov.u32 s18;
	s18 =	sadd.s32 $0xFFFFFFFF, s18;
	p0 =	por p3, p3  }
0x27: {  	s28 =	sshll.u32 @p6 s23, $0xB;
	s20 =	sadd.s32 @p6 $0x3, s20;
	s24 =	simm.s32 @!p0 $0x0  }
0x28: {  	s25 =	rddreg [dreg:$0x5];
	s28 =	sand.u32 @p6 $0x1FFFF800, s28;
	s24 =	simm.s32 @p0 $0x1  }
0x29: {  	s25 =	sadd.s32 @p6 s25, s28;
	s28 =	simm.s32 @p6 $0x0;
	p0 =	sne.s32 s18, $0x0  }
0x2a: {  	[hbm4b:s25+s28] =	stream.linear.scatter @p6 [tilespmem:s22], [sflag:s20], $0x4000, $0x200038;
	[tilespmem:$0x8100] =	vst v63  }
0x2b: {  	s20 =	sadd.s32 @!p1 $0x3, s15;
	s15 =	simm.s32 @!p0 $0x0  }
0x2c: {  	s26 =	simm.s32 $0x1;
	[smem:$0x7FC] =	sst s24;
	s15 =	simm.s32 @p0 $0x1  }
0x2d: {  	s26 =	simm.s32 @!p6 $0x0;
	_ =	strace @p6 $0x9000004C;
	[smem:$0x7FD] =	sst s15  }
0x2e: {  	p5 =	por !p5, !p5;
	s19 =	sadd.s32 s26, s19;
	_ =	strace @!p1 $0x8000004D  }
0x2f: {  	s24 =	sand.u32 @!p2 $0x1, s13;
	s22 =	sand.u32 @p5 $0x1, s14;
	_ =	swait.ge @!p1 [sflag:s20], $0x4000  }
0x30: {  	s15 =	smov.u32 s24;
	s24 =	sadd.s32 @p5 s4, s17;
	[sflag:s20] =	ssyncset.done @!p1 $0x0  }
0x31: {  	s25 =	sshll.u32 @p5 s22, $0x7;
	s24 =	sshll.u32 @p5 s24, $0x4;
	[sflag:s20] =	ssyncadd.s32 @!p1 $0xFFFFC000  }
0x32: {  	s20 =	sadd.s32 @p5 $0x1, s22;
	s22 =	sand.u32 @p5 $0x1FFFFFF0, s24;
	_ =	strace @!p1 $0x9000004D  }
0x33: {  	s24 =	simm.s32 @p5 $0x0;
	s22 =	sadd.s32 @p5 s1, s22;
	_ =	strace @p5 $0x80000049  }
0x34: {  	[tilespmem:s25], [sflag:s20] =	stream.linear.gather @p5 [hbm4b:s22+s24], $0x80, $0x200038;
	[tilespmem:$0x8100] =	vst v63  }
0x35: {  	s16 =	sadd.s32 s26, s16;
	s26 =	sand.u32 $0x1, s19;
	_ =	strace @p5 $0x90000049  }
0x36: {  	s24 =	sadd.s32 $0x1, s26;
	_ =	strace $0x8000004A  }
0x37: {  	_ =	swait.ge [sflag:s24], $0x80  }
0x38: {  	[sflag:s24] =	ssyncset.done $0x0  }
0x39: {  	s20 =	simm.s32 $0x1;
	[sflag:s24] =	ssyncadd.s32 $0xFFFFFF80  }
0x3a: {  	s20 =	simm.s32 @!p5 $0x0;
	_ =	strace $0x9000004A  }
0x3b: {  	s14 =	sadd.s32 s20, s14;
	s20 =	sand.u32 $0x1, s16;
	_ =	strace $0x8000004B  }
0x3c: {  	s29 =	sshll.u32 s19, $0x7;
	s25 =	sshll.u32 s20, $0xE;
	s26 =	rddreg [dreg:$0x4]  }
0x3d: {  	s29 =	sand.u32 $0x80, s29;
	s22 =	sor.u32 $0x100, s25;
	s30 =	rddreg [dreg:$0x3]  }
0x3e: {  	[tilespmem:s22], [sflag:$0x5] =	stream.indirect.gather [hbm4b:s30+s26], $0x80, s29, s26, $0x2000b8;
	[tilespmem:$0x8100] =	vst v63  }
0x3f: {  	_ =	swait.ge [sflag:s8], $0x4000  }
0x40: {  	s31 =	sadd.s32 $0x1, s17;
	[sflag:s8] =	ssyncset.done $0x0  }
0x41: {  	s23 =	sadd.s32 s4, s11;
	s11 =	smov.u32 s17;
	[sflag:s8] =	ssyncadd.s32 $0xFFFFC000  }
0x42: {  	p3 =	seq.s32 s31, $0x32;
	s17 =	smov.u32 s31;
	_ =	strace $0x9000004B  }
0x43: {  	s17 =	simm.s32 @p3 $0x0;
	s31 =	sld [smem:$0x7FD]  }
0x44: {  	p6 =	sne.s32 s12, $0x1;
	p0 =	sne.s32 s21, $0x32;
	p3 =	sne.s32 s11, s17  }
0x45: {  	p5 =	por !p6, !p3;
	p6 =	seq.s32 s21, $0x1;
	s21 =	simm.s32 $0x1  }
0x46: {  	s21 =	simm.s32 @!p0 $0x0;
	p0 =	seq.s32 s31, $0x1  }
.Ltmp0:
0x47: {  	s30 =	sld [smem:$0x7FC];
	(pc) =	sbr.rel @p0 .LBB2_2-.Ltmp0, $4  }
0x48: {  	_ = 	snop  }
0x49: {  	p4 =	seq.s32 s12, $0x32  }
0x4a: {  	p1 =	por p2, p2;
	p2 =	por p4, p4;
	p4 =	seq.s32 s30, $0x1  }
0x4b: {  	p6 =	por p6, p4  }
0x4c: {  	_ =	strace @p6 $0x8000004C;
	s23 =	sshll.u32 @p6 s23, $0xB  }
0x4d: {  	s18 =	rddreg [dreg:$0x5];
	s23 =	sand.u32 @p6 $0x1FFFF800, s23  }
0x4e: {  	s20 =	sadd.s32 @p6 $0x3, s20;
	s18 =	sadd.s32 @p6 s18, s23;
	s23 =	simm.s32 @p6 $0x0  }
0x4f: {  	[hbm4b:s18+s23] =	stream.linear.scatter @p6 [tilespmem:s22], [sflag:s20], $0x4000, $0x200038;
	[tilespmem:$0x8100] =	vst v63  }
0x50: {  	p0 =	por !p5, !p5;
	_ =	strace @p6 $0x9000004C  }
0x51: {  	s15 =	sadd.s32 @!p1 $0x3, s15;
	s17 =	sadd.s32 @p0 s4, s17;
	_ =	strace @!p1 $0x8000004D  }
0x52: {  	s14 =	sand.u32 @p0 $0x1, s14;
	s17 =	sshll.u32 @p0 s17, $0x4;
	_ =	swait.ge @!p1 [sflag:s15], $0x4000  }
0x53: {  	s18 =	simm.s32 $0x1;
	s20 =	sshll.u32 @p0 s14, $0x7;
	[sflag:s15] =	ssyncset.done @!p1 $0x0  }
0x54: {  	s14 =	sadd.s32 @p0 $0x1, s14;
	s18 =	simm.s32 @!p6 $0x0;
	[sflag:s15] =	ssyncadd.s32 @!p1 $0xFFFFC000  }
0x55: {  	s19 =	sadd.s32 s18, s19;
	s15 =	sand.u32 @p0 $0x1FFFFFF0, s17;
	_ =	strace @!p1 $0x9000004D  }
0x56: {  	s17 =	simm.s32 @p0 $0x0;
	s15 =	sadd.s32 @p0 s1, s15;
	_ =	strace @p0 $0x80000049  }
0x57: {  	[tilespmem:s20], [sflag:s14] =	stream.linear.gather @p0 [hbm4b:s15+s17], $0x80, $0x200038;
	[tilespmem:$0x8100] =	vst v63  }
0x58: {  	s25 =	sand.u32 $0x1, s19;
	_ =	strace @p0 $0x90000049  }
0x59: {  	s14 =	sadd.s32 $0x1, s25;
	_ =	strace $0x8000004A  }
0x5a: {  	_ =	swait.ge [sflag:s14], $0x80  }
0x5b: {  	[sflag:s14] =	ssyncset.done $0x0  }
0x5c: {  	[sflag:s14] =	ssyncadd.s32 $0xFFFFFF80  }
0x5d: {  	s26 =	sadd.s32 s18, s16;
	_ =	strace $0x9000004A  }
0x5e: {  	s14 =	sand.u32 $0x1, s26;
	_ =	strace $0x8000004B  }
0x5f: {  	s30 =	sshll.u32 s19, $0x7;
	s31 =	sshll.u32 s14, $0xE;
	s28 =	rddreg [dreg:$0x4]  }
0x60: {  	s17 =	sand.u32 $0x80, s30;
	s18 =	sor.u32 $0x100, s31;
	s29 =	rddreg [dreg:$0x3]  }
0x61: {  	[tilespmem:s18], [sflag:$0x5] =	stream.indirect.gather [hbm4b:s29+s28], $0x80, s17, s28, $0x2000b8;
	[tilespmem:$0x8100] =	vst v63  }
0x62: {  	_ =	swait.ge [sflag:s8], $0x4000  }
0x63: {  	[sflag:s8] =	ssyncset.done $0x0  }
0x64: {  	p5 =	por p3, p3;
	p6 =	seq.s32 s12, $0x1;
	[sflag:s8] =	ssyncadd.s32 $0xFFFFC000  }
0x65: {  	s11 =	sadd.s32 s4, s11;
	p0 =	por p6, p5;
	_ =	strace $0x9000004B  }
0x66: {  	s11 =	sshll.u32 @p0 s11, $0xB;
	_ =	strace @p0 $0x8000004C  }
0x67: {  	s13 =	sadd.s32 s21, s13;
	s11 =	sand.u32 @p0 $0x1FFFF800, s11;
	s12 =	rddreg [dreg:$0x5]  }
0x68: {  	s14 =	sadd.s32 @p0 $0x3, s14;
	s11 =	sadd.s32 @p0 s12, s11;
	s12 =	simm.s32 @p0 $0x0  }
0x69: {  	[hbm4b:s11+s12] =	stream.linear.scatter @p0 [tilespmem:s18], [sflag:s14], $0x4000, $0x200038;
	[tilespmem:$0x8100] =	vst v63  }
0x6a: {  	p1 =	por p2, p2;
	s11 =	sand.u32 @!p2 $0x1, s13;
	_ =	strace @p0 $0x9000004C  }
0x6b: {  	s11 =	sadd.s32 @!p1 $0x3, s11;
	_ =	strace @!p1 $0x8000004D  }
0x6c: {  	_ =	swait.ge @!p1 [sflag:s11], $0x4000  }
0x6d: {  	[sflag:s11] =	ssyncset.done @!p1 $0x0  }
0x6e: {  	s10 =	sadd.s32 $0x1, s10;
	[sflag:s11] =	ssyncadd.s32 @!p1 $0xFFFFC000  }
0x6f: {  	p0 =	sne.s32 s10, s6;
	_ =	strace @!p1 $0x9000004D  }
.Ltmp1:
0x70: {  	_ =	strace $0x8000004E;
	(pc) =	sbr.rel @p0 .LBB2_1-.Ltmp1, $4  }
0x71: {  	_ =	swait.ge [sflag:s9], $0x4000  }
0x72: {  	[sflag:s9] =	ssyncset.done $0x0  }
0x73: {  	[sflag:s9] =	ssyncadd.s32 $0xFFFFC000  }
0x74: {  	_ =	strace $0x9000004E  }
0x75: {  	_ =	sfence.sel $0x180000  }
0x76: {  	[bflag:$0x0] =	sbarrier.arrive $0xFFFF  }
0x77: {  	p0 =	sne.s32 s3, $0x0;
	_ =	strace $0x90000047  }
0x78: {  	s0 =	sadd.s32 @!p0 $0x100000, s0;
	[bflag:$0x2] =	sbarrier.arrive $0xFFFF  }
0x79: {  	[sflag:s0] =	ssyncadd.tile.s32 @!p0 $0x1;
	_ =	shalt  }
.Lfunc_end2:
_tile_overlayer_lowered:
.L_overlay_start_2:
0x7a: {  	(tag) =	ssettag $0x2  }
0x7b: {  	s0 =	rddreg [dreg:$0x0];
	s2 =	stileid.u32  }
0x7c: {  	s1 =	rddreg [dreg:$0x1];
	p0 =	sne.s32 s2, $0x0  }
0x7d: {  	s3 =	rddreg [dreg:$0x2];
	[bflag:$0x3] =	sbarrier.arrive $0xFFFF;
	s2 =	simm.s32 @!p0 $0x1C01  }
0x7e: {  	[timem:s3], [sflag:s2] =	dma.local @!p0 [hbm:s0], s1  }
0x7f: {  	s0 =	simm.s32 @!p0 $0x1  }
0x80: {  	_ =	swait.ge @!p0 [sflag:s0], s1  }
0x81: {  	s1 =	ssub.s32 @!p0 $0x0, s1;
	[sflag:s0] =	ssyncset.done @!p0 $0x0  }
0x82: {  	[sflag:s0] =	ssyncadd.s32 @!p0 s1  }
0x83: {  	[bflag:$0x3] =	sbarrier.arrive $0xFFFF  }
0x84: {  	_ =	shalt  }

// kernel: sparse-core-data-format-call.cloned.1.call-start
scs
called_computation_lowered:
.L_overlay_start_0:
0x0: {  	s2 =	sld [smem:$0x3FD9]  }
0x1: {  	s3 =	sld [smem:$0x3FFE];
	_ =	sdelay $0x1  }
0x2: {  	s1 =	srdreg.scid  }
0x3: {  	s0 =	sand.u32 $0x1, s1  }
0x4: {  	s16 =	sshll.u32 s0, $0xA;
	s2 =	sadd.s32 s3, s2  }
0x5: {  	s2 =	sadd.s32 s2, s16  }
0x6: {  	[smem:$0x3FC2] =	sst s2  }
0x7: {  	_ = 	snop  }
0x8: {  	s2 =	sld [smem:$0x3FD0];
	_ =	sdelay $0x2  }
0x9: {  	s17 =	simm.s32 $0xB;
	s4 =	simm.s32 $0x10  }
0xa: {  	[smem:s4], [sflag:s17] =	dma.local [hbm:s2], $0x1  }
0xb: {  	_ =	swait.eq [sflag:s17], $0x1  }
0xc: {  	[sflag:s17] =	ssyncset.done $0x0  }
0xd: {  	[sflag:s17] =	ssyncadd.s32 $0xFFFFFFFF  }
0xe: {  	s18 =	sld [smem:$0x10];
	(tm) =	ssettm $0x1  }
0xf: {  	s19 =	sld [smem:$0x3FFB];
	_ =	sdelay $0x3  }
0x10: {  	_ =	strace s19  }
0x11: {  	s2 =	sld [smem:$0x3FFC];
	_ =	sdelay $0x3  }
0x12: {  	_ =	strace s2  }
0x13: {  	s2 =	sld [smem:$0x3FFD];
	_ =	sdelay $0x3  }
0x14: {  	_ =	strace s2  }
0x15: {  	_ =	strace $0x8FFFFFFF  }
0x16: {  	s20 =	sld [smem:$0x3FDB];
	_ =	sdelay $0x1  }
0x17: {  	s21 =	simm.s32 $_scs_section_size  }
0x18: {  	s5 =	simm.s32 $_size__tile_overlayer_lowered;
	s6 =	simm.s32 $_tile_overlayer_lowered  }
0x19: {  	s7 =	simm.s32 $0x1BFF;
	s22 =	sshll.u32 s6, $0x1;
	s4 =	sadd.s32 s21, s20  }
0x1a: {  	s23 =	simm.s32 $0x0;
	s5 =	sshll.u32 s5, $0x1;
	s6 =	sadd.s32 s22, s4  }
0x1b: {  	[timem:s23], [sflag:s7] =	dma.local [hbm:s6], s5  }
0x1c: {  	_ =	swait.ge [sflag:s7], s5  }
0x1d: {  	s5 =	ssub.s32 $0x0, s5;
	[sflag:s7] =	ssyncset.done $0x0  }
0x1e: {  	[sflag:s7] =	ssyncadd.s32 s5;
	_ =	sdelay $0x1  }
0x1f: {  	s24 =	simm.s32 $0x1B8B  }
0x20: {  	_ =	swait.ge [sflag:s24], $0x1  }
0x21: {  	[sflag:s24] =	ssyncset.done $0x0  }
0x22: {  	[sflag:s24] =	ssyncadd.s32 $0xFFFFFFFF  }
0x23: {  	s5 =	sld [smem:$0x0]  }
0x24: {  	s6 =	sand.u32 $0xFFFFFFFE, s1  }
0x25: {  	p0 =	sne.s32 s1, s6  }
0x26: {  	s6 =	sshll.u32 @p0 s6, $0xE  }
0x27: {  	s6 =	sadd.s32 @p0 $0x11B8D, s6;
	s7 =	sshll.u32 @p0 s5, $0x11  }
0x28: {  	s6 =	sor.u32 @p0 s7, s6  }
0x29: {  	[sflag:s6] =	ssyncadd.remote.s32 @p0 $0x1;
	_ =	sdelay $0x1  }
0x2a: {  	s6 =	simm.s32 @p0 $0x1B8D  }
0x2b: {  	_ =	swait.eq @p0 [sflag:s6], $0x1  }
0x2c: {  	[sflag:s6] =	ssyncadd.s32 @p0 $0xFFFFFFFF  }
0x2d: {  	s7 =	sshll.u32 @!p0 s1, $0xE  }
0x2e: {  	s7 =	sor.u32 @!p0 $0x4000, s7;
	s6 =	simm.s32 @!p0 $0x1B8D  }
0x2f: {  	s5 =	sshll.u32 @!p0 s5, $0x11;
	s7 =	sadd.s32 @!p0 $0x11B8D, s7;
	_ =	swait.eq @!p0 [sflag:s6], $0x1  }
0x30: {  	s5 =	sor.u32 @!p0 s5, s7;
	[sflag:s6] =	ssyncadd.s32 @!p0 $0xFFFFFFFF  }
0x31: {  	s26 =	simm.s32 $0x1B8E;
	s25 =	sld [smem:$0x3FFE];
	[sflag:s5] =	ssyncadd.remote.s32 @!p0 $0x1  }
0x32: {  	s27 =	simm.s32 $execute0_lowered;
	[smem:$0x3FD2] =	sst s26  }
0x33: {  	s6 =	sshll.u32 s27, $0x1;
	_ =	strace $0x8000005E;
	[dreg:$0x1] =	wrdreg $0xFFFFFFFF  }
0x34: {  	s28 =	simm.s32 $_size_execute0_lowered;
	s4 =	sadd.s32 s4, s6;
	[dreg:$0x0] =	wrdreg $0x0  }
0x35: {  	s6 =	sshll.u32 s28, $0x1;
	[dreg:$0x2] =	wrdreg s4  }
0x36: {  	[dreg:$0x3] =	wrdreg s6  }
0x37: {  	[dreg:$0x4] =	wrdreg $0xC0  }
0x38: {  	_ =	task [dreg:s23], $0x5FFFF  }
0x39: {  	[dreg:$0x1] =	wrdreg $0xFFFFFFFF  }
0x3a: {  	[dreg:$0x0] =	wrdreg $0x60  }
0x3b: {  	[dreg:$0x2] =	wrdreg s25  }
0x3c: {  	[dreg:$0x3] =	wrdreg s18  }
0x3d: {  	[dreg:$0x4] =	wrdreg $0xA  }
0x3e: {  	_ =	task.clear_ibuf [dreg:s23], $0x5FFFF;
	_ =	strace $0x9000005E  }
0x3f: {  	s29 =	simm.s32 $0xA;
	_ =	strace $0x80000060  }
0x40: {  	_ =	swait.ge [sflag:s29], $0x1  }
0x41: {  	[sflag:s29] =	ssyncadd.s32 $0xFFFFFFFF  }
0x42: {  	_ =	strace $0x90000060  }
0x43: {  	_ =	sfence  }
0x44: {  	s30 =	sld [smem:$0x0];
	_ =	sdelay $0x2  }
0x45: {  	s31 =	sshll.u32 s1, $0xD;
	s1 =	sshrl.u32 s1, $0x2  }
0x46: {  	s4 =	sand.u32 $0x4000, s31;
	s1 =	sadd.s32 s1, s30  }
0x47: {  	s0 =	sor.u32 s4, s0;
	s1 =	sshll.u32 s1, $0x11  }
0x48: {  	s0 =	sor.u32 s1, s0  }
0x49: {  	s0 =	sadd.s32 $0x8F2B, s0  }
0x4a: {  	[sflag:s0] =	ssyncadd.remote.s32 $0x1  }
0x4b: {  	_ =	sfence.sel $0xFFFF  }
0x4c: {  	[dreg:$0x0] =	wrdreg $0xFFFFFFFF;
	(pc) =	sbr.abs _section_cstart, $3  }
0x4d: {  	[dreg:$0x1] =	wrdreg $0xFFFFFFFF  }
0x4e: {  	_ =	task.clear_ibuf [dreg:s23], $0x2FFFF;
	_ =	strace $0x9FFFFFFF  }
0x4f: {  	(tm) =	ssettm $0x7FFFFFFF  }
tec
execute0_lowered:
.L_overlay_start_1:
0x0: {  	(tag) =	ssettag $0x1  }
0x1: {  	s0 =	srdreg.scid  }
0x2: {  	s1 =	sshll.u32 s0, $0x4  }
0x3: {  	s0 =	stileid.u32;
	s1 =	sand.u32 $0x10, s1  }
0x4: {  	s1 =	sor.u32 s0, s1  }
0x5: {  	s6 =	rddreg [dreg:$0x0];
	s4 =	simm.s32 $0x1;
	s2 =	sshll.u32 s1, $0x7  }
0x6: {  	s7 =	simm.s32 $0x2;
	s12 =	simm.s32 $0x0;
	s1 =	ssub.s32 $0x1000, s2  }
0x7: {  	s8 =	simm.s32 $0x8000;
	s13 =	simm.s32 $0x0;
	s3 =	sand.u32 $0xF80, s1  }
0x8: {  	s9 =	simm.s32 $0x0;
	s5 =	sshrl.u32 s1, $0xC;
	p0 =	sne.s32 s3, $0x0  }
.Ltmp0:
0x9: {  	s1 =	rddreg [dreg:$0x2];
	s4 =	simm.s32 @!p0 $0x0;
	(pc) =	sbr.rel .LBB1_1-.Ltmp0, $4  }
0xa: {  	s11 =	simm.s32 $0x0;
	s3 =	rddreg [dreg:$0x1];
	s5 =	sadd.s32 s4, s5  }
0xb: {  	_ =	strace $0x8000005F;
	s4 =	simm.s32 $0x1;
	s5 =	smul.u32 $0x32, s5  }
0xc: {  	s6 =	sadd.s32 $0x3F8400, s6;
	s10 =	smov.u32 s2;
	[sflag:s4] =	ssyncpa.u1 $0x0  }
0xd: {  	p0 =	por $0x0, $0x0;
	[sflag:s7] =	ssyncpa.u1 $0x0;
	s7 =	sor.u32 $0x1, s5  }
.LBB1_4:
0xe: {  	s16 =	sshll.u32 s13, $0x3;
	s17 =	sand.u32 $0x78, s13  }
0xf: {  	s30 =	sand.u32 $0x7E00, s13;
	s12 =	sshll.u32 s12, $0xF;
	s16 =	sand.u32 $0xC00, s16  }
0x10: {  	[tilespmem:s15+$0x810 ss:$0x81] =	vst.msk $0xffff, v2;
	s31 =	sand.u32 $0x7, s13;
	s16 =	sor.u32 s17, s16;
	s17 =	sadd.s32 s3, s30  }
0x11: {  	[tilespmem:s15+$0x1020 ss:$0x81] =	vst.msk $0xffff, v0;
	s13 =	sshll.u32 s31, $0x12;
	s12 =	sadd.s32 s12, s17;
	s16 =	sshrl.u32 s16, $0x3  }
0x12: {  	[tilespmem:s15+$0x0 ss:$0x81] =	vst.msk $0xffff, v1;
	s13 =	sor.u32 $0x400, s13;
	s12 =	sadd.s32 s16, s12  }
0x13: {  	[hbm4b:s12+s13] =	stream.strided.scatter [tilespmem:s14], [sflag:$0x2], $0x2000, s8, s13, $0x20;
	[tilespmem:$0x8080] =	vst v63  }
.LBB1_5:
0x14: {  	s14 =	sadd.s32 $0x1, s9  }
0x15: {  	s12 =	sadd.s32 $0x1000, s10;
	s16 =	smov.u32 s10;
	p2 =	sgt.s32 s14, $0x31  }
0x16: {  	s16 =	smov.u32 @p2 s12  }
0x17: {  	s14 =	simm.s32 @p2 $0x0;
	p2 =	sgt.s32 s16, $0xFFF  }
0x18: {  	s16 =	smov.u32 @p2 s2;
	p2 =	sne.s32 s11, s7  }
.Ltmp1:
0x19: {  	p1 =	slt.u32 s11, $0x2;
	(pc) =	sbr.rel @!p2 .LBB1_6-.Ltmp1, $4  }
0x1a: {  	s15 =	simm.s32 @!p1 $0x2  }
0x1b: {  	s13 =	smov.u32 s10;
	p0 =	por !p0, !p0;
	_ =	swait.ge @!p1 [sflag:s15], $0x2000  }
0x1c: {  	s12 =	smov.u32 s9;
	[sflag:s15] =	ssyncset.done @!p1 $0x0;
	s9 =	smov.u32 s14  }
0x1d: {  	s11 =	sadd.s32 $0x1, s11;
	[sflag:s15] =	ssyncadd.s32 @!p1 $0xFFFFE000;
	s10 =	smov.u32 s16  }
.LBB1_1:
0x1e: {  	p1 =	sge.u32 s11, s5  }
0x1f: {  	s14 =	sand.u32 @!p1 $0x1FFFFFF, s9  }
0x20: {  	s15 =	smulhi.u32 @!p1 $0x4924925, s14;
	_ =	sdelay $0x1  }
0x21: {  	s15 =	smul.u32 @!p1 $0x38, s15  }
0x22: {  	s16 =	sxor.u32 @!p1 $0xFFFFFFFF, s11;
	s17 =	smul.u32 @!p1 $0x380, s10  }
0x23: {  	s31 =	sadd.s32 $0xFFFFFFFF, s11;
	s16 =	sshll.u32 @!p1 s16, $0xD;
	s14 =	ssub.s32 @!p1 s14, s15  }
0x24: {  	s15 =	sand.u32 @!p1 $0x2000, s16;
	s16 =	sadd.s32 @!p1 s6, s17;
	s14 =	sshll.u32 @!p1 s14, $0x4  }
0x25: {  	s17 =	simm.s32 @!p1 $0x1C00;
	s14 =	sadd.s32 @!p1 s14, s16;
	s16 =	simm.s32 @!p1 $0x40  }
0x26: {  	[tilespmem:s15], [sflag:$0x1] =	stream.strided.gather @!p1 [hbm4b:s14+s16], $0x2000, s17, s16, $0x38;
	[tilespmem:$0x8080] =	vst v63  }
0x27: {  	p1 =	sge.u32 s31, s5  }
.Ltmp2:
0x28: {  	_ = 	snop;
	(pc) =	sbr.rel @p1 .LBB1_5-.Ltmp2, $1  }
0x29: {  	_ =	sdelay $0x3  }
0x2a: {  	s14 =	simm.s32 $0x1  }
0x2b: {  	_ =	swait.ge [sflag:s4], $0x2000;
	s14 =	simm.s32 @!p0 $0x0  }
0x2c: {  	[sflag:s4] =	ssyncset.done $0x0;
	s15 =	sshll.u32 s14, $0xD  }
0x2d: {  	[sflag:s4] =	ssyncadd.s32 $0xFFFFE000;
	s18 =	sor.u32 $0x20, s15  }
0x2e: {  	s14 =	smul.u32 $0x8100, s14;
	v3 =	vld [tilespmem:s18+$0x10]  }
0x2f: {  	s30 =	sand.u32 $0x1, s11;
	v2 =	vld [tilespmem:s18+$0xFFFFFFF0]  }
0x30: {  	s15 =	smul.u32 $0x8100, s30;
	s14 =	sshrl.u32 s14, $0x2;
	v0 =	vld [tilespmem:s18+$0x0]  }
0x31: {  	v1 =	vld [tilespmem:s18+$0xFFFFFFE0];
	s16 =	sor.u32 $0x4000, s14  }
0x32: {  	s31 =	sshrl.u32 s15, $0x2;
	s15 =	sadd.s32 $0x0, s16  }
0x33: {  	s17 =	simm.s32 $0x4;
	s18 =	sadd.s32 $0x40, s18;
	s14 =	sor.u32 $0x4000, s31;
	[tilespmem:s15+$0x1830 ss:$0x81] =	vst.msk $0xffff, v3  }
.LBB1_3:
0x34: {  	v3 =	vld [tilespmem:s18+$0x10];
	p1 =	sne.s32 s17, $0x1FC;
	[tilespmem:s15+$0x810 ss:$0x81] =	vst.msk $0xffff, v2;
	s19 =	smov.u32 s17;
	s17 =	sadd.s32 $0x4, s17  }
.Ltmp3:
0x35: {  	v2 =	vld [tilespmem:s18+$0xFFFFFFF0];
	[tilespmem:s15+$0x1020 ss:$0x81] =	vst.msk $0xffff, v0;
	(pc) =	sbr.rel @p1 .LBB1_3-.Ltmp3, $4  }
0x36: {  	v0 =	vld [tilespmem:s18+$0x0];
	[tilespmem:s15+$0x0 ss:$0x81] =	vst.msk $0xffff, v1  }
0x37: {  	s15 =	sshra.s32 s19, $0x2;
	v1 =	vld [tilespmem:s18+$0xFFFFFFE0]  }
0x38: {  	s15 =	sadd.s32 s15, s16  }
0x39: {  	s18 =	sadd.s32 $0x40, s18;
	[tilespmem:s15+$0x1830 ss:$0x81] =	vst.msk $0xffff, v3  }
.Ltmp4:
0x3a: {  	_ = 	snop;
	(pc) =	sbr.rel .LBB1_4-.Ltmp4, $1  }
0x3b: {  	_ =	sdelay $0x3  }
.LBB1_6:
0x3c: {  	_ =	sfence.sel $0x180000  }
0x3d: {  	s2 =	simm.s32 $0x1;
	[bflag:$0x0] =	sbarrier.arrive $0xFFFF  }
0x3e: {  	s31 =	simm.s32 $0x2;
	[sflag:s2] =	ssyncpa.u1 $0x1  }
0x3f: {  	[sflag:s31] =	ssyncpa.u1 $0x1  }
0x40: {  	p0 =	sne.s32 s0, $0x0;
	_ =	strace $0x9000005F  }
0x41: {  	s0 =	sadd.s32 @!p0 $0x100000, s1;
	[bflag:$0x2] =	sbarrier.arrive $0xFFFF  }
0x42: {  	[sflag:s0] =	ssyncadd.tile.s32 @!p0 $0x1;
	_ =	shalt  }
.Lfunc_end1:
_tile_overlayer_lowered:
.L_overlay_start_2:
0x43: {  	(tag) =	ssettag $0x2  }
0x44: {  	s0 =	rddreg [dreg:$0x0];
	s2 =	stileid.u32  }
0x45: {  	s1 =	rddreg [dreg:$0x1];
	p0 =	sne.s32 s2, $0x0  }
0x46: {  	s3 =	rddreg [dreg:$0x2];
	[bflag:$0x3] =	sbarrier.arrive $0xFFFF;
	s2 =	simm.s32 @!p0 $0x1C01  }
0x47: {  	[timem:s3], [sflag:s2] =	dma.local @!p0 [hbm:s0], s1  }
0x48: {  	s0 =	simm.s32 @!p0 $0x1  }
0x49: {  	_ =	swait.ge @!p0 [sflag:s0], s1  }
0x4a: {  	s1 =	ssub.s32 @!p0 $0x0, s1;
	[sflag:s0] =	ssyncset.done @!p0 $0x0  }
0x4b: {  	[sflag:s0] =	ssyncadd.s32 @!p0 s1  }
0x4c: {  	[bflag:$0x3] =	sbarrier.arrive $0xFFFF  }
0x4d: {  	_ =	shalt  }

</sc_bundles>
